<compile_context>
chip_gen: v7x
topology: tpu7x:2x2x1
jax: 0.10.2.dev20260603
libtpu: 0.0.44.dev20260713+nightly
codegen_flags: <defaults>
</compile_context>

<pallas_src>
import functools

import jax
import jax.numpy as jnp
from jax import lax
from jax.experimental import pallas as pl
from jax.experimental.pallas import tpu as pltpu
from jax.experimental.pallas import tpu_sc as plsc

_BT = 1024


def _rtne_bf16_bits(u):
    return u + jnp.uint32(0x7FFF) + ((u >> 16) & jnp.uint32(1))


_TS = 256


def _pack_bf16_pairs(m):
    half = m.shape[1] // 2
    u_lo = _rtne_bf16_bits(lax.bitcast_convert_type(m[:, :half], jnp.uint32))
    u_hi = _rtne_bf16_bits(lax.bitcast_convert_type(m[:, half:], jnp.uint32))
    packed = (u_hi & jnp.uint32(0xFFFF0000)) | (u_lo >> 16)
    return lax.bitcast_convert_type(packed, jnp.int32)


def _s1_prep_v(wi_ref, cb_ref, v_ref, cn2_ref):
    dd = wi_ref.shape[0]
    wbf = wi_ref[...].astype(jnp.bfloat16)
    cbbf = cb_ref[...].astype(jnp.bfloat16)
    v_ref[:dd, :] = wbf
    g = lax.dot_general(cbbf, wbf, (((1,), (0,)), ((), ())),
                        preferred_element_type=jnp.float32)
    v_ref[dd:, :] = (-2.0 * g).astype(jnp.bfloat16)
    cbf = cb_ref[...]
    ones = jnp.ones((1, dd), jnp.float32)
    cn2_ref[...] = lax.dot_general(ones, cbf * cbf, (((1,), (1,)), ((), ())),
                                   preferred_element_type=jnp.float32) + 2.0
    return cbbf


def _s1_common(i, h_ref, v_ref, cn2_ref, am_ref, idx_ref, acc_ref):
    dd = h_ref.shape[1]
    nc = cn2_ref.shape[1]
    cn2 = cn2_ref[...]
    parts = []
    zs_all = []
    for t in range(_BT // _TS):
        h = h_ref[t * _TS:(t + 1) * _TS, :]
        zs_all.append(lax.dot_general(h.astype(jnp.bfloat16), v_ref[...],
                                      (((1,), (1,)), ((), ())),
                                      preferred_element_type=jnp.float32))
    for t in range(_BT // _TS):
        zs = zs_all[t]
        z = zs[:, :dd]
        dp = cn2 + zs[:, dd:]
        cols = lax.broadcasted_iota(jnp.int32, dp.shape, 1)
        pk = (lax.bitcast_convert_type(dp, jnp.int32)
              & jnp.int32(~0x3FF)) | cols
        pmin = jnp.min(pk, axis=1)
        am = am_ref[pl.ds(t * _TS, _TS)]
        pad_row = nc + ((i * _BT + t * _TS + lax.iota(jnp.int32, _TS))
                        & (nc - 1))
        idx_ref[pl.ds(t * _TS, _TS)] = jnp.where(am > 0, pmin & 0x3FF,
                                                 pad_row)
        dmin = lax.bitcast_convert_type(pmin & jnp.int32(~0x3FF),
                                        jnp.float32) - 2.0
        zn = lax.dot_general(z * z, jnp.ones((1, dd), jnp.float32),
                             (((1,), (1,)), ((), ())),
                             preferred_element_type=jnp.float32)
        parts.append(jnp.sum(zn, axis=(0, 1), keepdims=True)
                     + jnp.sum(dmin))
    part = sum(parts[1:], parts[0])

    @pl.when(i == 0)
    def _init():
        acc_ref[...] = part

    @pl.when(i != 0)
    def _accum():
        acc_ref[...] += part


def _s1a_body(h_ref, wi_ref, cb_ref, wo_ref, am_ref,
              idx_ref, acc_ref, cbw_ref, v_ref, cn2_ref):
    i = pl.program_id(0)

    @pl.when(i == 0)
    def _prep():
        cbbf = _s1_prep_v(wi_ref, cb_ref, v_ref, cn2_ref)
        m = lax.dot_general(cbbf, wo_ref[...].astype(jnp.bfloat16),
                            (((1,), (1,)), ((), ())),
                            preferred_element_type=jnp.float32)
        cbw_ref[:m.shape[0], :] = _pack_bf16_pairs(m)
        cbw_ref[m.shape[0]:, :] = jnp.zeros(
            (cbw_ref.shape[0] - m.shape[0], m.shape[1] // 2), jnp.int32)

    _s1_common(i, h_ref, v_ref, cn2_ref, am_ref, idx_ref, acc_ref)


def _s1b_body(h_ref, wi_ref, cb_ref, am_ref,
              idx_ref, acc_ref, v_ref, cn2_ref):
    i = pl.program_id(0)

    @pl.when(i == 0)
    def _prep():
        _s1_prep_v(wi_ref, cb_ref, v_ref, cn2_ref)

    _s1_common(i, h_ref, v_ref, cn2_ref, am_ref, idx_ref, acc_ref)


def _s3_alias_body(prev_ref, out_ref, h_ref, g_ref, b_ref, o_ref):
    del prev_ref
    _s3_body(out_ref, h_ref, g_ref, b_ref, o_ref)


def _s3_body(out_ref, h_ref, g_ref, b_ref, o_ref):
    u = lax.bitcast_convert_type(out_ref[...], jnp.uint32)
    f_lo = lax.bitcast_convert_type(u << 16, jnp.float32)
    f_hi = lax.bitcast_convert_type(u & jnp.uint32(0xFFFF0000), jnp.float32)
    half = u.shape[1]
    dim = 2 * half
    x0 = h_ref[:, :half] + f_lo
    x1 = h_ref[:, half:] + f_hi
    mu = (jnp.sum(x0, axis=1, keepdims=True)
          + jnp.sum(x1, axis=1, keepdims=True)) * (1.0 / dim)
    xc0 = x0 - mu
    xc1 = x1 - mu
    var = (jnp.sum(xc0 * xc0, axis=1, keepdims=True)
           + jnp.sum(xc1 * xc1, axis=1, keepdims=True)) * (1.0 / dim)
    r = lax.rsqrt(var + 1e-5)
    o_ref[:, :half] = xc0 * r * g_ref[:, :half] + b_ref[:, :half]
    o_ref[:, half:] = xc1 * r * g_ref[:, half:] + b_ref[:, half:]


def _make_sc_gather(num_tokens, dim):
    info = plsc.get_sparse_core_info()
    nc, ns = info.num_cores, info.num_subcores
    nw = nc * ns
    b_per_w = num_tokens // nw
    ch = 128
    n_ch = b_per_w // ch
    mesh = plsc.VectorSubcoreMesh(core_axis_name="c", subcore_axis_name="s")

    @functools.partial(
        pl.kernel, mesh=mesh,
        out_type=jax.ShapeDtypeStruct((num_tokens, dim), jnp.int32),
        scratch_types=[
            pltpu.VMEM((ch,), jnp.int32),
            pltpu.VMEM((ch, dim), jnp.int32),
            pltpu.SemaphoreType.DMA,
        ],
    )
    def gather(table_hbm, idx_hbm, out_hbm, idx_v, rows_v, sem):
        wid = lax.axis_index("s") * nc + lax.axis_index("c")
        base = wid * b_per_w
        for c in range(n_ch):
            off = base + c * ch
            pltpu.sync_copy(idx_hbm.at[pl.ds(off, ch)], idx_v)
            pltpu.async_copy(table_hbm.at[idx_v], rows_v, sem).wait()
            pltpu.sync_copy(rows_v, out_hbm.at[pl.ds(off, ch)])

    return gather


def kernel(hidden, codebook, W_in, W_out, ln_g, ln_b, active_mask):
    d = hidden.shape[-1]
    n = hidden.shape[0] * hidden.shape[1]
    c = codebook.shape[0]
    h2 = hidden.reshape(n, d)
    nblk = n // _BT

    am_i32 = active_mask.reshape(n).astype(jnp.int32)
    nh = n // 2
    nblk = nh // _BT
    gather = _make_sc_gather(nh, d // 2)
    scratch = [
        pltpu.VMEM((d + c, d), jnp.bfloat16),
        pltpu.VMEM((1, c), jnp.float32),
    ]

    def s1a():
        return pl.pallas_call(
            _s1a_body,
            grid=(nblk,),
            in_specs=[
                pl.BlockSpec((_BT, d), lambda i: (i, 0)),
                pl.BlockSpec((d, d), lambda i: (0, 0)),
                pl.BlockSpec((c, d), lambda i: (0, 0)),
                pl.BlockSpec((d, d), lambda i: (0, 0)),
                pl.BlockSpec((_BT,), lambda i: (i,)),
            ],
            out_specs=[
                pl.BlockSpec((_BT,), lambda i: (i,)),
                pl.BlockSpec((1, 1), lambda i: (0, 0)),
                pl.BlockSpec((2 * c, d // 2), lambda i: (0, 0)),
            ],
            out_shape=[
                jax.ShapeDtypeStruct((nh,), jnp.int32),
                jax.ShapeDtypeStruct((1, 1), jnp.float32),
                jax.ShapeDtypeStruct((2 * c, d // 2), jnp.int32),
            ],
            scratch_shapes=scratch,
        )(h2, W_in, codebook, W_out, am_i32)

    def s1b():
        return pl.pallas_call(
            _s1b_body,
            grid=(nblk,),
            in_specs=[
                pl.BlockSpec((_BT, d), lambda i: (i + nblk, 0)),
                pl.BlockSpec((d, d), lambda i: (0, 0)),
                pl.BlockSpec((c, d), lambda i: (0, 0)),
                pl.BlockSpec((_BT,), lambda i: (i + nblk,)),
            ],
            out_specs=[
                pl.BlockSpec((_BT,), lambda i: (i,)),
                pl.BlockSpec((1, 1), lambda i: (0, 0)),
            ],
            out_shape=[
                jax.ShapeDtypeStruct((nh,), jnp.int32),
                jax.ShapeDtypeStruct((1, 1), jnp.float32),
            ],
            scratch_shapes=scratch,
        )(h2, W_in, codebook, am_i32)

    def s3_first(rows_half):
        return pl.pallas_call(
            _s3_body,
            grid=(nblk,),
            in_specs=[
                pl.BlockSpec((_BT, d // 2), lambda i: (i, 0)),
                pl.BlockSpec((_BT, d), lambda i: (i, 0)),
                pl.BlockSpec((1, d), lambda i: (0, 0)),
                pl.BlockSpec((1, d), lambda i: (0, 0)),
            ],
            out_specs=pl.BlockSpec((_BT, d), lambda i: (i, 0)),
            out_shape=jax.ShapeDtypeStruct((n, d), jnp.float32),
        )(rows_half, h2, ln_g.reshape(1, d), ln_b.reshape(1, d))

    def s3_second(prev, rows_half):
        return pl.pallas_call(
            _s3_alias_body,
            grid=(nblk,),
            in_specs=[
                pl.BlockSpec((8, 128), lambda i: (0, 0)),
                pl.BlockSpec((_BT, d // 2), lambda i: (i, 0)),
                pl.BlockSpec((_BT, d), lambda i: (i + nblk, 0)),
                pl.BlockSpec((1, d), lambda i: (0, 0)),
                pl.BlockSpec((1, d), lambda i: (0, 0)),
            ],
            out_specs=pl.BlockSpec((_BT, d), lambda i: (i + nblk, 0)),
            out_shape=jax.ShapeDtypeStruct((n, d), jnp.float32),
            input_output_aliases={0: 0},
        )(prev, rows_half, h2, ln_g.reshape(1, d), ln_b.reshape(1, d))

    idx_a, acc_a, cbw = s1a()
    rows_a = gather(cbw, idx_a)
    idx_b, acc_b = s1b()
    rows_b = gather(cbw, idx_b)
    hc_a = s3_first(rows_a)
    h_comm = s3_second(hc_a, rows_b)

    vq_loss = (1.0 + 0.25) * (acc_a[0, 0] + acc_b[0, 0]) / (n * d)
    return h_comm.reshape(hidden.shape), vq_loss

# --- scband reference (transcript-rebuilt; emitter-appended) ---
"""Pipeline reference for scband-dvnccodebook-44178033606669 (READ-ONLY COPY).

The authoritative reference and input builder live on the scoring server;
editing this copy changes nothing except your own understanding.
"""

import jax, jax.numpy as jnp
import numpy as np

RIM = 1024
NUM_CODES = 1024
COMMIT = 0.25


def setup_inputs(seed: int = 0) -> dict:
    key = jax.random.key(seed)
    k1, k2, k3, k4, k5 = jax.random.split(key, 5)
    hidden = jax.random.normal(k1, (4, 2048, RIM), dtype=jnp.float32)
    active_mask = jax.random.randint(k2, (4, 2048), 0, 2) > 0
    codebook = jax.random.uniform(k3, (NUM_CODES, RIM), dtype=jnp.float32, minval=-1.0 / NUM_CODES, maxval=1.0 / NUM_CODES)
    lim = 1.0 / np.sqrt(RIM)
    W_in = jax.random.uniform(k4, (RIM, RIM), dtype=jnp.float32, minval=-lim, maxval=lim)
    W_out = jax.random.uniform(k5, (RIM, RIM), dtype=jnp.float32, minval=-lim, maxval=lim)
    ln_g = jnp.ones((RIM,), dtype=jnp.float32)
    ln_b = jnp.zeros((RIM,), dtype=jnp.float32)
    return {"hidden": hidden, "codebook": codebook, "W_in": W_in, "W_out": W_out, "ln_g": ln_g, "ln_b": ln_b, "active_mask": active_mask}


def reference(hidden, codebook, W_in, W_out, ln_g, ln_b, active_mask):
    sg = jax.lax.stop_gradient
    # proj_in (Linear no bias): z = hidden @ W_in.T
    z = hidden @ W_in.T
    z_flat = z.reshape(-1, z.shape[-1])
    # squared L2 distances to codebook entries
    dist = jnp.sum(z_flat ** 2, axis=-1, keepdims=True) - 2.0 * (z_flat @ codebook.T) + jnp.sum(codebook ** 2, axis=-1)
    idx = jnp.argmin(dist, axis=-1)
    z_q = jnp.take(codebook, idx, axis=0).reshape(z.shape)
    # activation_entropy is None -> beta_eff = commitment_base
    beta_eff = COMMIT
    vq_loss = jnp.mean((sg(z_q) - z) ** 2) + beta_eff * jnp.mean((z_q - sg(z)) ** 2)
    # straight-through
    z_st = z + sg(z_q - z)
    out = z_st @ W_out.T
    active_f = active_mask[..., None].astype(jnp.float32)
    x = hidden + active_f * out
    # LayerNorm (biased variance, eps=1e-5)
    mean = jnp.mean(x, axis=-1, keepdims=True)
    var = jnp.var(x, axis=-1, keepdims=True)
    h_comm = (x - mean) / jnp.sqrt(var + 1e-5) * ln_g + ln_b
    return h_comm, vq_loss

if __name__ == "__main__":
    import jax
    _d = setup_inputs()
    print(jax.jit(kernel)(*tuple(_d.values())))

</pallas_src>

<mosaic_0001>
#map = affine_map<(d0, d1) -> (0, 0)>
#map1 = affine_map<(d0, d1) -> (0)>
module attributes {stable_mosaic.version = 14 : i64} {
  func.func @gather(%arg0: i32, %arg1: i32, %arg2: memref<2048x512xi32, #tpu.memory_space<hbm>>, %arg3: memref<4096xi32, #tpu.memory_space<hbm>>, %arg4: memref<4096x512xi32, #tpu.memory_space<hbm>>, %arg5: memref<128xi32, #tpu.memory_space<vmem>>, %arg6: memref<128x512xi32, #tpu.memory_space<vmem>>, %arg7: memref<!tpu.dma_semaphore, #tpu.memory_space<semaphore_mem>>) attributes {dimension_semantics = [#tpu.dimension_semantics<core_parallel>, #tpu.dimension_semantics<subcore_parallel>], iteration_bounds = array<i64: 2, 16>, scalar_prefetch = 0 : i64, scratch_operands = 3 : i64, tpu.core_type = #tpu.core_type<sc_vector_subcore>, window_params = [{transform_indices = #map}, {transform_indices = #map1}, {transform_indices = #map}]} {
    %mul3A = arith.constant 2 : i32
    %mul3A_0 = arith.muli %arg1, %mul3A : i32
    %add3A = arith.addi %mul3A_0, %arg0 : i32
    %mul3A_1 = arith.constant 128 : i32
    %mul3A_2 = arith.muli %add3A, %mul3A_1 : i32
    %add3A_3 = arith.constant 0 : i32
    %add3A_4 = arith.addi %mul3A_2, %add3A_3 : i32
    "tpu.region"() ({
      %run_scoped3A = tpu.sem_alloc : memref<!tpu.dma_semaphore, #tpu.memory_space<semaphore_mem>>
      %dma_start3A_9 = tpu.memref_slice %arg3[%add3A_4] : memref<4096xi32, #tpu.memory_space<hbm>> -> memref<128xi32, #tpu.memory_space<hbm>>
      %dma_start3A_10 = tpu.memref_slice %arg3[%add3A_4] : memref<4096xi32, #tpu.memory_space<hbm>> -> memref<128xi32, #tpu.memory_space<hbm>>
      tpu.enqueue_dma source(%dma_start3A_10 : memref<128xi32, #tpu.memory_space<hbm>>) target(%arg5 : memref<128xi32, #tpu.memory_space<vmem>>) target_semaphore(%run_scoped3A : memref<!tpu.dma_semaphore, #tpu.memory_space<semaphore_mem>>)
      %dma_wait3A_11 = tpu.memref_slice %arg3[%add3A_4] : memref<4096xi32, #tpu.memory_space<hbm>> -> memref<128xi32, #tpu.memory_space<hbm>>
      %dma_wait3A_12 = tpu.memref_slice %arg3[%add3A_4] : memref<4096xi32, #tpu.memory_space<hbm>> -> memref<128xi32, #tpu.memory_space<hbm>>
      tpu.wait_dma2 semaphore(%run_scoped3A : memref<!tpu.dma_semaphore, #tpu.memory_space<semaphore_mem>>) src(%dma_wait3A_12 : memref<128xi32, #tpu.memory_space<hbm>>) dst(%arg5 : memref<128xi32, #tpu.memory_space<vmem>>)
      tpu.yield
    }) : () -> ()
    %dma_start3A = arith.constant 0 : i32
    %dma_start3A_5 = arith.constant 0 : i32
    %dma_start3A_6 = tpu.memref_slice %arg2[%dma_start3A, %dma_start3A_5] : memref<2048x512xi32, #tpu.memory_space<hbm>> -> memref<2048x512xi32, #tpu.memory_space<hbm>>
    tpu.enqueue_indirect_dma source(%dma_start3A_6 : memref<2048x512xi32, #tpu.memory_space<hbm>>) target(%arg6 : memref<128x512xi32, #tpu.memory_space<vmem>>) offsets(%arg5 : memref<128xi32, #tpu.memory_space<vmem>>) semaphore(%arg7 : memref<!tpu.dma_semaphore, #tpu.memory_space<semaphore_mem>>)
    %dma_wait3A = arith.constant 0 : i32
    %dma_wait3A_7 = arith.constant 0 : i32
    %dma_wait3A_8 = tpu.memref_slice %arg2[%dma_wait3A, %dma_wait3A_7] : memref<2048x512xi32, #tpu.memory_space<hbm>> -> memref<2048x512xi32, #tpu.memory_space<hbm>>
    tpu.wait_indirect_dma semaphore(%arg7 : memref<!tpu.dma_semaphore, #tpu.memory_space<semaphore_mem>>) src(%dma_wait3A_8 : memref<2048x512xi32, #tpu.memory_space<hbm>>) dst(%arg6 : memref<128x512xi32, #tpu.memory_space<vmem>>)
    "tpu.region"() ({
      %run_scoped3A = tpu.sem_alloc : memref<!tpu.dma_semaphore, #tpu.memory_space<semaphore_mem>>
      %dma_start3A_9 = arith.constant 0 : i32
      %dma_start3A_10 = tpu.memref_slice %arg4[%add3A_4, %dma_start3A_9] : memref<4096x512xi32, #tpu.memory_space<hbm>> -> memref<128x512xi32, #tpu.memory_space<hbm>>
      %dma_start3A_11 = arith.constant 0 : i32
      %dma_start3A_12 = tpu.memref_slice %arg4[%add3A_4, %dma_start3A_11] : memref<4096x512xi32, #tpu.memory_space<hbm>> -> memref<128x512xi32, #tpu.memory_space<hbm>>
      tpu.enqueue_dma source(%arg6 : memref<128x512xi32, #tpu.memory_space<vmem>>) target(%dma_start3A_12 : memref<128x512xi32, #tpu.memory_space<hbm>>) target_semaphore(%run_scoped3A : memref<!tpu.dma_semaphore, #tpu.memory_space<semaphore_mem>>)
      %dma_wait3A_13 = arith.constant 0 : i32
      %dma_wait3A_14 = tpu.memref_slice %arg4[%add3A_4, %dma_wait3A_13] : memref<4096x512xi32, #tpu.memory_space<hbm>> -> memref<128x512xi32, #tpu.memory_space<hbm>>
      %dma_wait3A_15 = arith.constant 0 : i32
      %dma_wait3A_16 = tpu.memref_slice %arg4[%add3A_4, %dma_wait3A_15] : memref<4096x512xi32, #tpu.memory_space<hbm>> -> memref<128x512xi32, #tpu.memory_space<hbm>>
      tpu.wait_dma2 semaphore(%run_scoped3A : memref<!tpu.dma_semaphore, #tpu.memory_space<semaphore_mem>>) src(%arg6 : memref<128x512xi32, #tpu.memory_space<vmem>>) dst(%dma_wait3A_16 : memref<128x512xi32, #tpu.memory_space<hbm>>)
      tpu.yield
    }) : () -> ()
    return
  }
}

#map = affine_map<(d0, d1) -> (0, 0)>
#map1 = affine_map<(d0, d1) -> (0)>
module attributes {stable_mosaic.version = 14 : i64} {
  func.func @gather(%arg0: i32, %arg1: i32, %arg2: memref<2048x512xi32, #tpu.memory_space<hbm>>, %arg3: memref<4096xi32, #tpu.memory_space<hbm>>, %arg4: memref<4096x512xi32, #tpu.memory_space<hbm>>, %arg5: memref<128xi32, #tpu.memory_space<vmem>>, %arg6: memref<128x512xi32, #tpu.memory_space<vmem>>, %arg7: memref<!tpu.dma_semaphore, #tpu.memory_space<semaphore_mem>>) attributes {dimension_semantics = [#tpu.dimension_semantics<core_parallel>, #tpu.dimension_semantics<subcore_parallel>], iteration_bounds = array<i64: 2, 16>, scalar_prefetch = 0 : i64, scratch_operands = 3 : i64, tpu.core_type = #tpu.core_type<sc_vector_subcore>, window_params = [{transform_indices = #map}, {transform_indices = #map1}, {transform_indices = #map}]} {
    %mul3A = arith.constant 2 : i32
    %mul3A_0 = arith.muli %arg1, %mul3A : i32
    %add3A = arith.addi %mul3A_0, %arg0 : i32
    %mul3A_1 = arith.constant 128 : i32
    %mul3A_2 = arith.muli %add3A, %mul3A_1 : i32
    %add3A_3 = arith.constant 0 : i32
    %add3A_4 = arith.addi %mul3A_2, %add3A_3 : i32
    "tpu.region"() ({
      %run_scoped3A = tpu.sem_alloc : memref<!tpu.dma_semaphore, #tpu.memory_space<semaphore_mem>>
      %dma_start3A_9 = tpu.memref_slice %arg3[%add3A_4] : memref<4096xi32, #tpu.memory_space<hbm>> -> memref<128xi32, #tpu.memory_space<hbm>>
      %dma_start3A_10 = tpu.memref_slice %arg3[%add3A_4] : memref<4096xi32, #tpu.memory_space<hbm>> -> memref<128xi32, #tpu.memory_space<hbm>>
      tpu.enqueue_dma source(%dma_start3A_10 : memref<128xi32, #tpu.memory_space<hbm>>) target(%arg5 : memref<128xi32, #tpu.memory_space<vmem>>) target_semaphore(%run_scoped3A : memref<!tpu.dma_semaphore, #tpu.memory_space<semaphore_mem>>)
      %dma_wait3A_11 = tpu.memref_slice %arg3[%add3A_4] : memref<4096xi32, #tpu.memory_space<hbm>> -> memref<128xi32, #tpu.memory_space<hbm>>
      %dma_wait3A_12 = tpu.memref_slice %arg3[%add3A_4] : memref<4096xi32, #tpu.memory_space<hbm>> -> memref<128xi32, #tpu.memory_space<hbm>>
      tpu.wait_dma2 semaphore(%run_scoped3A : memref<!tpu.dma_semaphore, #tpu.memory_space<semaphore_mem>>) src(%dma_wait3A_12 : memref<128xi32, #tpu.memory_space<hbm>>) dst(%arg5 : memref<128xi32, #tpu.memory_space<vmem>>)
      tpu.yield
    }) : () -> ()
    %dma_start3A = arith.constant 0 : i32
    %dma_start3A_5 = arith.constant 0 : i32
    %dma_start3A_6 = tpu.memref_slice %arg2[%dma_start3A, %dma_start3A_5] : memref<2048x512xi32, #tpu.memory_space<hbm>> -> memref<2048x512xi32, #tpu.memory_space<hbm>>
    tpu.enqueue_indirect_dma source(%dma_start3A_6 : memref<2048x512xi32, #tpu.memory_space<hbm>>) target(%arg6 : memref<128x512xi32, #tpu.memory_space<vmem>>) offsets(%arg5 : memref<128xi32, #tpu.memory_space<vmem>>) semaphore(%arg7 : memref<!tpu.dma_semaphore, #tpu.memory_space<semaphore_mem>>)
    %dma_wait3A = arith.constant 0 : i32
    %dma_wait3A_7 = arith.constant 0 : i32
    %dma_wait3A_8 = tpu.memref_slice %arg2[%dma_wait3A, %dma_wait3A_7] : memref<2048x512xi32, #tpu.memory_space<hbm>> -> memref<2048x512xi32, #tpu.memory_space<hbm>>
    tpu.wait_indirect_dma semaphore(%arg7 : memref<!tpu.dma_semaphore, #tpu.memory_space<semaphore_mem>>) src(%dma_wait3A_8 : memref<2048x512xi32, #tpu.memory_space<hbm>>) dst(%arg6 : memref<128x512xi32, #tpu.memory_space<vmem>>)
    "tpu.region"() ({
      %run_scoped3A = tpu.sem_alloc : memref<!tpu.dma_semaphore, #tpu.memory_space<semaphore_mem>>
      %dma_start3A_9 = arith.constant 0 : i32
      %dma_start3A_10 = tpu.memref_slice %arg4[%add3A_4, %dma_start3A_9] : memref<4096x512xi32, #tpu.memory_space<hbm>> -> memref<128x512xi32, #tpu.memory_space<hbm>>
      %dma_start3A_11 = arith.constant 0 : i32
      %dma_start3A_12 = tpu.memref_slice %arg4[%add3A_4, %dma_start3A_11] : memref<4096x512xi32, #tpu.memory_space<hbm>> -> memref<128x512xi32, #tpu.memory_space<hbm>>
      tpu.enqueue_dma source(%arg6 : memref<128x512xi32, #tpu.memory_space<vmem>>) target(%dma_start3A_12 : memref<128x512xi32, #tpu.memory_space<hbm>>) target_semaphore(%run_scoped3A : memref<!tpu.dma_semaphore, #tpu.memory_space<semaphore_mem>>)
      %dma_wait3A_13 = arith.constant 0 : i32
      %dma_wait3A_14 = tpu.memref_slice %arg4[%add3A_4, %dma_wait3A_13] : memref<4096x512xi32, #tpu.memory_space<hbm>> -> memref<128x512xi32, #tpu.memory_space<hbm>>
      %dma_wait3A_15 = arith.constant 0 : i32
      %dma_wait3A_16 = tpu.memref_slice %arg4[%add3A_4, %dma_wait3A_15] : memref<4096x512xi32, #tpu.memory_space<hbm>> -> memref<128x512xi32, #tpu.memory_space<hbm>>
      tpu.wait_dma2 semaphore(%run_scoped3A : memref<!tpu.dma_semaphore, #tpu.memory_space<semaphore_mem>>) src(%arg6 : memref<128x512xi32, #tpu.memory_space<vmem>>) dst(%dma_wait3A_16 : memref<128x512xi32, #tpu.memory_space<hbm>>)
      tpu.yield
    }) : () -> ()
    return
  }
}

module attributes {stable_mosaic.version = 14 : i64} {
  func.func @_s1a_body(%arg0: i32, %arg1: memref<1024x1024xf32, #tpu.memory_space<vmem>>, %arg2: memref<1024x1024xf32, #tpu.memory_space<vmem>>, %arg3: memref<1024x1024xf32, #tpu.memory_space<vmem>>, %arg4: memref<1024x1024xf32, #tpu.memory_space<vmem>>, %arg5: memref<1024xi32, #tpu.memory_space<vmem>>, %arg6: memref<1024xi32, #tpu.memory_space<vmem>>, %arg7: memref<1x1xf32, #tpu.memory_space<vmem>>, %arg8: memref<2048x512xi32, #tpu.memory_space<vmem>>, %arg9: memref<2048x1024xbf16, #tpu.memory_space<vmem>>, %arg10: memref<1x1024xf32, #tpu.memory_space<vmem>>) attributes {dimension_semantics = [#tpu.dimension_semantics<arbitrary>], iteration_bounds = array<i64: 4>, scalar_prefetch = 0 : i64, scratch_operands = 2 : i64, tpu.core_type = #tpu.core_type<tc>, window_params = [{transform_indices = @transform_0, window_bounds = array<i64: 1024, 1024>}, {pipeline_mode = #tpu.pipeline_mode<synchronous>, transform_indices = @transform_1, window_bounds = array<i64: 1024, 1024>}, {pipeline_mode = #tpu.pipeline_mode<synchronous>, transform_indices = @transform_2, window_bounds = array<i64: 1024, 1024>}, {pipeline_mode = #tpu.pipeline_mode<synchronous>, transform_indices = @transform_3, window_bounds = array<i64: 1024, 1024>}, {transform_indices = @transform_4, window_bounds = array<i64: 1024>}, {transform_indices = @transform_5, window_bounds = array<i64: 1024>}, {pipeline_mode = #tpu.pipeline_mode<synchronous>, transform_indices = @transform_6, window_bounds = array<i64: 1, 1>}, {pipeline_mode = #tpu.pipeline_mode<synchronous>, transform_indices = @transform_7, window_bounds = array<i64: 2048, 512>}]} {
    %eq3A = arith.constant 0 : i32
    %eq3A_0 = arith.cmpi eq, %arg0, %eq3A : i32
    %convert_element_type3A = arith.extui %eq3A_0 : i1 to i32
    %cond3A = arith.constant 0 : i32
    %cond3A_1 = arith.cmpi ne, %convert_element_type3A, %cond3A : i32
    scf.if %cond3A_1 {
      %get3A_285 = arith.constant 0 : index
      %get3A_286 = arith.constant 0 : index
      %get3A_287 = vector.load %arg2[%get3A_285, %get3A_286] : memref<1024x1024xf32, #tpu.memory_space<vmem>>, vector<1024x1024xf32>
      %convert_element_type3A_288 = arith.truncf %get3A_287 : vector<1024x1024xf32> to vector<1024x1024xbf16>
      %get3A_289 = arith.constant 0 : index
      %get3A_290 = arith.constant 0 : index
      %get3A_291 = vector.load %arg3[%get3A_289, %get3A_290] : memref<1024x1024xf32, #tpu.memory_space<vmem>>, vector<1024x1024xf32>
      %convert_element_type3A_292 = arith.truncf %get3A_291 : vector<1024x1024xf32> to vector<1024x1024xbf16>
      %swap3A_293 = arith.constant 0 : index
      %swap3A_294 = arith.constant 0 : index
      %swap3A_295 = vector.load %arg9[%swap3A_293, %swap3A_294] : memref<2048x1024xbf16, #tpu.memory_space<vmem>>, vector<1024x1024xbf16>
      tpu.vector_store %arg9[%swap3A_293, %swap3A_294], %convert_element_type3A_288 {strides = array<i32>} : memref<2048x1024xbf16, #tpu.memory_space<vmem>>, vector<1024x1024xbf16>,
      %dot_general3A_296 = arith.constant dense<0.000000e+00> : vector<1024x1024xf32>
      %dot_general3A_297 = tpu.matmul %convert_element_type3A_292, %convert_element_type3A_288, %dot_general3A_296 {dimension_numbers = #tpu.dot_dimension_numbers<[1], [0], [0], [1], [0, 0, 1, 1], [], []>, transpose_lhs_hint = false} : vector<1024x1024xbf16>, vector<1024x1024xbf16>, vector<1024x1024xf32> -> vector<1024x1024xf32>
      %mul3A_298 = arith.constant -2.000000e+00 : f32
      %mul3A_299 = vector.broadcast %mul3A_298 : f32 to vector<1024x1024xf32>
      %mul3A_300 = arith.mulf %mul3A_299, %dot_general3A_297 : vector<1024x1024xf32>
      %convert_element_type3A_301 = arith.truncf %mul3A_300 : vector<1024x1024xf32> to vector<1024x1024xbf16>
      %swap3A_302 = arith.constant 1024 : index
      %swap3A_303 = arith.constant 0 : index
      %swap3A_304 = vector.load %arg9[%swap3A_302, %swap3A_303] : memref<2048x1024xbf16, #tpu.memory_space<vmem>>, vector<1024x1024xbf16>
      tpu.vector_store %arg9[%swap3A_302, %swap3A_303], %convert_element_type3A_301 {strides = array<i32>} : memref<2048x1024xbf16, #tpu.memory_space<vmem>>, vector<1024x1024xbf16>,
      %get3A_305 = arith.constant 0 : index
      %get3A_306 = arith.constant 0 : index
      %get3A_307 = vector.load %arg3[%get3A_305, %get3A_306] : memref<1024x1024xf32, #tpu.memory_space<vmem>>, vector<1024x1024xf32>
      %broadcast_in_dim3A_308 = arith.constant 1.000000e+00 : f32
      %broadcast_in_dim3A_309 = vector.broadcast %broadcast_in_dim3A_308 : f32 to vector<1x1024xf32>
      %mul3A_310 = arith.mulf %get3A_307, %get3A_307 : vector<1024x1024xf32>
      %dot_general3A_311 = arith.constant dense<0.000000e+00> : vector<1x1024xf32>
      %dot_general3A_312 = tpu.matmul %broadcast_in_dim3A_309, %mul3A_310, %dot_general3A_311 {dimension_numbers = #tpu.dot_dimension_numbers<[1], [1], [0], [0], [0, 0, 1, 0], [], []>, transpose_lhs_hint = false} : vector<1x1024xf32>, vector<1024x1024xf32>, vector<1x1024xf32> -> vector<1x1024xf32>
      %add3A_313 = arith.constant 2.000000e+00 : f32
      %add3A_314 = vector.broadcast %add3A_313 : f32 to vector<1x1024xf32>
      %add3A_315 = arith.addf %dot_general3A_312, %add3A_314 : vector<1x1024xf32>
      %swap3A_316 = arith.constant 0 : index
      %swap3A_317 = arith.constant 0 : index
      %swap3A_318 = vector.load %arg10[%swap3A_316, %swap3A_317] : memref<1x1024xf32, #tpu.memory_space<vmem>>, vector<1x1024xf32>
      tpu.vector_store %arg10[%swap3A_316, %swap3A_317], %add3A_315 {strides = array<i32>} : memref<1x1024xf32, #tpu.memory_space<vmem>>, vector<1x1024xf32>,
      %get3A_319 = arith.constant 0 : index
      %get3A_320 = arith.constant 0 : index
      %get3A_321 = vector.load %arg4[%get3A_319, %get3A_320] : memref<1024x1024xf32, #tpu.memory_space<vmem>>, vector<1024x1024xf32>
      %convert_element_type3A_322 = arith.truncf %get3A_321 : vector<1024x1024xf32> to vector<1024x1024xbf16>
      %dot_general3A_323 = arith.constant dense<0.000000e+00> : vector<1024x1024xf32>
      %dot_general3A_324 = tpu.matmul %convert_element_type3A_292, %convert_element_type3A_322, %dot_general3A_323 {dimension_numbers = #tpu.dot_dimension_numbers<[1], [1], [0], [0], [0, 0, 1, 0], [], []>, transpose_lhs_hint = false} : vector<1024x1024xbf16>, vector<1024x1024xbf16>, vector<1024x1024xf32> -> vector<1024x1024xf32>
      %slice3A_325 = vector.extract_strided_slice %dot_general3A_324 {offsets = [0, 0], sizes = [1024, 512], strides = [1, 1]} : vector<1024x1024xf32> to vector<1024x512xf32>
      %bitcast_convert_type3A_326 = tpu.bitcast %slice3A_325 : vector<1024x512xf32> -> vector<1024x512xi32>
      %add3A_327 = arith.constant 32767 : i32
      %add3A_328 = vector.broadcast %add3A_327 : i32 to vector<1024x512xi32>
      %add3A_329 = arith.addi %bitcast_convert_type3A_326, %add3A_328 : vector<1024x512xi32>
      %shift_right_logical3A = arith.constant 16 : i32
      %shift_right_logical3A_330 = vector.broadcast %shift_right_logical3A : i32 to vector<1024x512xi32>
      %shift_right_logical3A_331 = arith.shrui %bitcast_convert_type3A_326, %shift_right_logical3A_330 : vector<1024x512xi32>
      %and3A_332 = arith.constant 1 : i32
      %and3A_333 = vector.broadcast %and3A_332 : i32 to vector<1024x512xi32>
      %and3A_334 = arith.andi %shift_right_logical3A_331, %and3A_333 : vector<1024x512xi32>
      %add3A_335 = arith.addi %add3A_329, %and3A_334 : vector<1024x512xi32>
      %slice3A_336 = vector.extract_strided_slice %dot_general3A_324 {offsets = [0, 512], sizes = [1024, 512], strides = [1, 1]} : vector<1024x1024xf32> to vector<1024x512xf32>
      %bitcast_convert_type3A_337 = tpu.bitcast %slice3A_336 : vector<1024x512xf32> -> vector<1024x512xi32>
      %add3A_338 = arith.constant 32767 : i32
      %add3A_339 = vector.broadcast %add3A_338 : i32 to vector<1024x512xi32>
      %add3A_340 = arith.addi %bitcast_convert_type3A_337, %add3A_339 : vector<1024x512xi32>
      %shift_right_logical3A_341 = arith.constant 16 : i32
      %shift_right_logical3A_342 = vector.broadcast %shift_right_logical3A_341 : i32 to vector<1024x512xi32>
      %shift_right_logical3A_343 = arith.shrui %bitcast_convert_type3A_337, %shift_right_logical3A_342 : vector<1024x512xi32>
      %and3A_344 = arith.constant 1 : i32
      %and3A_345 = vector.broadcast %and3A_344 : i32 to vector<1024x512xi32>
      %and3A_346 = arith.andi %shift_right_logical3A_343, %and3A_345 : vector<1024x512xi32>
      %add3A_347 = arith.addi %add3A_340, %and3A_346 : vector<1024x512xi32>
      %and3A_348 = arith.constant -65536 : i32
      %and3A_349 = vector.broadcast %and3A_348 : i32 to vector<1024x512xi32>
      %and3A_350 = arith.andi %add3A_347, %and3A_349 : vector<1024x512xi32>
      %shift_right_logical3A_351 = arith.constant 16 : i32
      %shift_right_logical3A_352 = vector.broadcast %shift_right_logical3A_351 : i32 to vector<1024x512xi32>
      %shift_right_logical3A_353 = arith.shrui %add3A_335, %shift_right_logical3A_352 : vector<1024x512xi32>
      %or3A_354 = arith.ori %and3A_350, %shift_right_logical3A_353 : vector<1024x512xi32>
      %bitcast_convert_type3A_355 = tpu.bitcast %or3A_354 : vector<1024x512xi32> -> vector<1024x512xi32>
      %swap3A_356 = arith.constant 0 : index
      %swap3A_357 = arith.constant 0 : index
      %swap3A_358 = vector.load %arg8[%swap3A_356, %swap3A_357] : memref<2048x512xi32, #tpu.memory_space<vmem>>, vector<1024x512xi32>
      tpu.vector_store %arg8[%swap3A_356, %swap3A_357], %bitcast_convert_type3A_355 {strides = array<i32>} : memref<2048x512xi32, #tpu.memory_space<vmem>>, vector<1024x512xi32>,
      %broadcast_in_dim3A_359 = arith.constant 0 : i32
      %broadcast_in_dim3A_360 = vector.broadcast %broadcast_in_dim3A_359 : i32 to vector<1024x512xi32>
      %swap3A_361 = arith.constant 1024 : index
      %swap3A_362 = arith.constant 0 : index
      %swap3A_363 = vector.load %arg8[%swap3A_361, %swap3A_362] : memref<2048x512xi32, #tpu.memory_space<vmem>>, vector<1024x512xi32>
      tpu.vector_store %arg8[%swap3A_361, %swap3A_362], %broadcast_in_dim3A_360 {strides = array<i32>} : memref<2048x512xi32, #tpu.memory_space<vmem>>, vector<1024x512xi32>,
    } else {
    }
    %get3A = arith.constant 0 : index
    %get3A_2 = arith.constant 0 : index
    %get3A_3 = vector.load %arg10[%get3A, %get3A_2] : memref<1x1024xf32, #tpu.memory_space<vmem>>, vector<1x1024xf32>
    %get3A_4 = arith.constant 0 : index
    %get3A_5 = arith.constant 0 : index
    %get3A_6 = vector.load %arg1[%get3A_4, %get3A_5] : memref<1024x1024xf32, #tpu.memory_space<vmem>>, vector<256x1024xf32>
    %convert_element_type3A_7 = arith.truncf %get3A_6 : vector<256x1024xf32> to vector<256x1024xbf16>
    %get3A_8 = arith.constant 0 : index
    %get3A_9 = arith.constant 0 : index
    %get3A_10 = vector.load %arg9[%get3A_8, %get3A_9] : memref<2048x1024xbf16, #tpu.memory_space<vmem>>, vector<2048x1024xbf16>
    %dot_general3A = arith.constant dense<0.000000e+00> : vector<256x2048xf32>
    %dot_general3A_11 = tpu.matmul %convert_element_type3A_7, %get3A_10, %dot_general3A {dimension_numbers = #tpu.dot_dimension_numbers<[1], [1], [0], [0], [0, 0, 1, 0], [], []>, transpose_lhs_hint = false} : vector<256x1024xbf16>, vector<2048x1024xbf16>, vector<256x2048xf32> -> vector<256x2048xf32>
    %get3A_12 = arith.constant 256 : index
    %get3A_13 = arith.constant 0 : index
    %get3A_14 = vector.load %arg1[%get3A_12, %get3A_13] : memref<1024x1024xf32, #tpu.memory_space<vmem>>, vector<256x1024xf32>
    %convert_element_type3A_15 = arith.truncf %get3A_14 : vector<256x1024xf32> to vector<256x1024xbf16>
    %get3A_16 = arith.constant 0 : index
    %get3A_17 = arith.constant 0 : index
    %get3A_18 = vector.load %arg9[%get3A_16, %get3A_17] : memref<2048x1024xbf16, #tpu.memory_space<vmem>>, vector<2048x1024xbf16>
    %dot_general3A_19 = arith.constant dense<0.000000e+00> : vector<256x2048xf32>
    %dot_general3A_20 = tpu.matmul %convert_element_type3A_15, %get3A_18, %dot_general3A_19 {dimension_numbers = #tpu.dot_dimension_numbers<[1], [1], [0], [0], [0, 0, 1, 0], [], []>, transpose_lhs_hint = false} : vector<256x1024xbf16>, vector<2048x1024xbf16>, vector<256x2048xf32> -> vector<256x2048xf32>
    %get3A_21 = arith.constant 512 : index
    %get3A_22 = arith.constant 0 : index
    %get3A_23 = vector.load %arg1[%get3A_21, %get3A_22] : memref<1024x1024xf32, #tpu.memory_space<vmem>>, vector<256x1024xf32>
    %convert_element_type3A_24 = arith.truncf %get3A_23 : vector<256x1024xf32> to vector<256x1024xbf16>
    %get3A_25 = arith.constant 0 : index
    %get3A_26 = arith.constant 0 : index
    %get3A_27 = vector.load %arg9[%get3A_25, %get3A_26] : memref<2048x1024xbf16, #tpu.memory_space<vmem>>, vector<2048x1024xbf16>
    %dot_general3A_28 = arith.constant dense<0.000000e+00> : vector<256x2048xf32>
    %dot_general3A_29 = tpu.matmul %convert_element_type3A_24, %get3A_27, %dot_general3A_28 {dimension_numbers = #tpu.dot_dimension_numbers<[1], [1], [0], [0], [0, 0, 1, 0], [], []>, transpose_lhs_hint = false} : vector<256x1024xbf16>, vector<2048x1024xbf16>, vector<256x2048xf32> -> vector<256x2048xf32>
    %get3A_30 = arith.constant 768 : index
    %get3A_31 = arith.constant 0 : index
    %get3A_32 = vector.load %arg1[%get3A_30, %get3A_31] : memref<1024x1024xf32, #tpu.memory_space<vmem>>, vector<256x1024xf32>
    %convert_element_type3A_33 = arith.truncf %get3A_32 : vector<256x1024xf32> to vector<256x1024xbf16>
    %get3A_34 = arith.constant 0 : index
    %get3A_35 = arith.constant 0 : index
    %get3A_36 = vector.load %arg9[%get3A_34, %get3A_35] : memref<2048x1024xbf16, #tpu.memory_space<vmem>>, vector<2048x1024xbf16>
    %dot_general3A_37 = arith.constant dense<0.000000e+00> : vector<256x2048xf32>
    %dot_general3A_38 = tpu.matmul %convert_element_type3A_33, %get3A_36, %dot_general3A_37 {dimension_numbers = #tpu.dot_dimension_numbers<[1], [1], [0], [0], [0, 0, 1, 0], [], []>, transpose_lhs_hint = false} : vector<256x1024xbf16>, vector<2048x1024xbf16>, vector<256x2048xf32> -> vector<256x2048xf32>
    %slice3A = vector.extract_strided_slice %dot_general3A_11 {offsets = [0, 0], sizes = [256, 1024], strides = [1, 1]} : vector<256x2048xf32> to vector<256x1024xf32>
    %slice3A_39 = vector.extract_strided_slice %dot_general3A_11 {offsets = [0, 1024], sizes = [256, 1024], strides = [1, 1]} : vector<256x2048xf32> to vector<256x1024xf32>
    %add3A = vector.broadcast %get3A_3 : vector<1x1024xf32> to vector<256x1024xf32>
    %add3A_40 = arith.addf %add3A, %slice3A_39 : vector<256x1024xf32>
    %iota3A = tpu.iota {dimensions = array<i32: 1>} : vector<256x1024xi32>
    %bitcast_convert_type3A = tpu.bitcast %add3A_40 : vector<256x1024xf32> -> vector<256x1024xi32>
    %and3A = arith.constant -1024 : i32
    %and3A_41 = vector.broadcast %and3A : i32 to vector<256x1024xi32>
    %and3A_42 = arith.andi %bitcast_convert_type3A, %and3A_41 : vector<256x1024xi32>
    %or3A = arith.ori %and3A_42, %iota3A : vector<256x1024xi32>
    %reduce_min3A = arith.constant dense<2147483647> : vector<256xi32>
    %reduce_min3A_43 = vector.multi_reduction <minsi>, %or3A, %reduce_min3A [1] : vector<256x1024xi32> to vector<256xi32>
    %get3A_44 = arith.constant 0 : index
    %get3A_45 = vector.load %arg5[%get3A_44] : memref<1024xi32, #tpu.memory_space<vmem>>, vector<256xi32>
    %mul3A = arith.constant 1024 : i32
    %mul3A_46 = arith.muli %arg0, %mul3A : i32
    %add3A_47 = arith.constant 0 : i32
    %add3A_48 = arith.addi %mul3A_46, %add3A_47 : i32
    %iota3A_49 = tpu.iota {dimensions = array<i32: 1>} : vector<1x256xi32>
    %iota3A_50 = vector.shape_cast %iota3A_49 : vector<1x256xi32> to vector<256xi32>
    %add3A_51 = vector.broadcast %add3A_48 : i32 to vector<256xi32>
    %add3A_52 = arith.addi %add3A_51, %iota3A_50 : vector<256xi32>
    %and3A_53 = arith.constant 1023 : i32
    %and3A_54 = vector.broadcast %and3A_53 : i32 to vector<256xi32>
    %and3A_55 = arith.andi %add3A_52, %and3A_54 : vector<256xi32>
    %add3A_56 = arith.constant 1024 : i32
    %add3A_57 = vector.broadcast %add3A_56 : i32 to vector<256xi32>
    %add3A_58 = arith.addi %add3A_57, %and3A_55 : vector<256xi32>
    %gt3A = arith.constant 0 : i32
    %gt3A_59 = vector.broadcast %gt3A : i32 to vector<256xi32>
    %gt3A_60 = arith.cmpi sgt, %get3A_45, %gt3A_59 : vector<256xi32>
    %and3A_61 = arith.constant 1023 : i32
    %and3A_62 = vector.broadcast %and3A_61 : i32 to vector<256xi32>
    %and3A_63 = arith.andi %reduce_min3A_43, %and3A_62 : vector<256xi32>
    %select_n3A = arith.select %gt3A_60, %and3A_63, %add3A_58 : vector<256xi1>, vector<256xi32>
    %swap3A = arith.constant 0 : index
    %swap3A_64 = vector.load %arg6[%swap3A] : memref<1024xi32, #tpu.memory_space<vmem>>, vector<256xi32>
    tpu.vector_store %arg6[%swap3A], %select_n3A {strides = array<i32>} : memref<1024xi32, #tpu.memory_space<vmem>>, vector<256xi32>,
    %and3A_65 = arith.constant -1024 : i32
    %and3A_66 = vector.broadcast %and3A_65 : i32 to vector<256xi32>
    %and3A_67 = arith.andi %reduce_min3A_43, %and3A_66 : vector<256xi32>
    %bitcast_convert_type3A_68 = tpu.bitcast %and3A_67 : vector<256xi32> -> vector<256xf32>
    %sub3A = arith.constant 2.000000e+00 : f32
    %sub3A_69 = vector.broadcast %sub3A : f32 to vector<256xf32>
    %sub3A_70 = arith.subf %bitcast_convert_type3A_68, %sub3A_69 : vector<256xf32>
    %mul3A_71 = arith.mulf %slice3A, %slice3A : vector<256x1024xf32>
    %broadcast_in_dim3A = arith.constant 1.000000e+00 : f32
    %broadcast_in_dim3A_72 = vector.broadcast %broadcast_in_dim3A : f32 to vector<1x1024xf32>
    %dot_general3A_73 = arith.constant dense<0.000000e+00> : vector<256x1xf32>
    %dot_general3A_74 = tpu.matmul %mul3A_71, %broadcast_in_dim3A_72, %dot_general3A_73 {dimension_numbers = #tpu.dot_dimension_numbers<[1], [1], [0], [0], [0, 0, 1, 0], [], []>, transpose_lhs_hint = false} : vector<256x1024xf32>, vector<1x1024xf32>, vector<256x1xf32> -> vector<256x1xf32>
    %reduce_sum3A = vector.shape_cast %dot_general3A_74 : vector<256x1xf32> to vector<1x256x1xf32>
    %reduce_sum3A_75 = arith.constant dense<0.000000e+00> : vector<1xf32>
    %reduce_sum3A_76 = vector.multi_reduction <add>, %reduce_sum3A, %reduce_sum3A_75 [1, 2] : vector<1x256x1xf32> to vector<1xf32>
    %reduce_sum3A_77 = vector.shape_cast %reduce_sum3A_76 : vector<1xf32> to vector<1x1x1xf32>
    %reduce_sum3A_78 = vector.extract %reduce_sum3A_77[0, 0, 0] : f32 from vector<1x1x1xf32>
    %broadcast_in_dim3A_79 = vector.broadcast %reduce_sum3A_78 : f32 to vector<1x1xf32>
    %reduce_sum3A_80 = vector.shape_cast %sub3A_70 : vector<256xf32> to vector<1x256xf32>
    %reduce_sum3A_81 = arith.constant dense<0.000000e+00> : vector<1xf32>
    %reduce_sum3A_82 = vector.multi_reduction <add>, %reduce_sum3A_80, %reduce_sum3A_81 [1] : vector<1x256xf32> to vector<1xf32>
    %reduce_sum3A_83 = vector.shape_cast %reduce_sum3A_82 : vector<1xf32> to vector<1x1xf32>
    %reduce_sum3A_84 = vector.extract %reduce_sum3A_83[0, 0] : f32 from vector<1x1xf32>
    %add3A_85 = vector.broadcast %reduce_sum3A_84 : f32 to vector<1x1xf32>
    %add3A_86 = arith.addf %broadcast_in_dim3A_79, %add3A_85 : vector<1x1xf32>
    %slice3A_87 = vector.extract_strided_slice %dot_general3A_20 {offsets = [0, 0], sizes = [256, 1024], strides = [1, 1]} : vector<256x2048xf32> to vector<256x1024xf32>
    %slice3A_88 = vector.extract_strided_slice %dot_general3A_20 {offsets = [0, 1024], sizes = [256, 1024], strides = [1, 1]} : vector<256x2048xf32> to vector<256x1024xf32>
    %add3A_89 = vector.broadcast %get3A_3 : vector<1x1024xf32> to vector<256x1024xf32>
    %add3A_90 = arith.addf %add3A_89, %slice3A_88 : vector<256x1024xf32>
    %iota3A_91 = tpu.iota {dimensions = array<i32: 1>} : vector<256x1024xi32>
    %bitcast_convert_type3A_92 = tpu.bitcast %add3A_90 : vector<256x1024xf32> -> vector<256x1024xi32>
    %and3A_93 = arith.constant -1024 : i32
    %and3A_94 = vector.broadcast %and3A_93 : i32 to vector<256x1024xi32>
    %and3A_95 = arith.andi %bitcast_convert_type3A_92, %and3A_94 : vector<256x1024xi32>
    %or3A_96 = arith.ori %and3A_95, %iota3A_91 : vector<256x1024xi32>
    %reduce_min3A_97 = arith.constant dense<2147483647> : vector<256xi32>
    %reduce_min3A_98 = vector.multi_reduction <minsi>, %or3A_96, %reduce_min3A_97 [1] : vector<256x1024xi32> to vector<256xi32>
    %get3A_99 = arith.constant 256 : index
    %get3A_100 = vector.load %arg5[%get3A_99] : memref<1024xi32, #tpu.memory_space<vmem>>, vector<256xi32>
    %mul3A_101 = arith.constant 1024 : i32
    %mul3A_102 = arith.muli %arg0, %mul3A_101 : i32
    %add3A_103 = arith.constant 256 : i32
    %add3A_104 = arith.addi %mul3A_102, %add3A_103 : i32
    %iota3A_105 = tpu.iota {dimensions = array<i32: 1>} : vector<1x256xi32>
    %iota3A_106 = vector.shape_cast %iota3A_105 : vector<1x256xi32> to vector<256xi32>
    %add3A_107 = vector.broadcast %add3A_104 : i32 to vector<256xi32>
    %add3A_108 = arith.addi %add3A_107, %iota3A_106 : vector<256xi32>
    %and3A_109 = arith.constant 1023 : i32
    %and3A_110 = vector.broadcast %and3A_109 : i32 to vector<256xi32>
    %and3A_111 = arith.andi %add3A_108, %and3A_110 : vector<256xi32>
    %add3A_112 = arith.constant 1024 : i32
    %add3A_113 = vector.broadcast %add3A_112 : i32 to vector<256xi32>
    %add3A_114 = arith.addi %add3A_113, %and3A_111 : vector<256xi32>
    %gt3A_115 = arith.constant 0 : i32
    %gt3A_116 = vector.broadcast %gt3A_115 : i32 to vector<256xi32>
    %gt3A_117 = arith.cmpi sgt, %get3A_100, %gt3A_116 : vector<256xi32>
    %and3A_118 = arith.constant 1023 : i32
    %and3A_119 = vector.broadcast %and3A_118 : i32 to vector<256xi32>
    %and3A_120 = arith.andi %reduce_min3A_98, %and3A_119 : vector<256xi32>
    %select_n3A_121 = arith.select %gt3A_117, %and3A_120, %add3A_114 : vector<256xi1>, vector<256xi32>
    %swap3A_122 = arith.constant 256 : index
    %swap3A_123 = vector.load %arg6[%swap3A_122] : memref<1024xi32, #tpu.memory_space<vmem>>, vector<256xi32>
    tpu.vector_store %arg6[%swap3A_122], %select_n3A_121 {strides = array<i32>} : memref<1024xi32, #tpu.memory_space<vmem>>, vector<256xi32>,
    %and3A_124 = arith.constant -1024 : i32
    %and3A_125 = vector.broadcast %and3A_124 : i32 to vector<256xi32>
    %and3A_126 = arith.andi %reduce_min3A_98, %and3A_125 : vector<256xi32>
    %bitcast_convert_type3A_127 = tpu.bitcast %and3A_126 : vector<256xi32> -> vector<256xf32>
    %sub3A_128 = arith.constant 2.000000e+00 : f32
    %sub3A_129 = vector.broadcast %sub3A_128 : f32 to vector<256xf32>
    %sub3A_130 = arith.subf %bitcast_convert_type3A_127, %sub3A_129 : vector<256xf32>
    %mul3A_131 = arith.mulf %slice3A_87, %slice3A_87 : vector<256x1024xf32>
    %broadcast_in_dim3A_132 = arith.constant 1.000000e+00 : f32
    %broadcast_in_dim3A_133 = vector.broadcast %broadcast_in_dim3A_132 : f32 to vector<1x1024xf32>
    %dot_general3A_134 = arith.constant dense<0.000000e+00> : vector<256x1xf32>
    %dot_general3A_135 = tpu.matmul %mul3A_131, %broadcast_in_dim3A_133, %dot_general3A_134 {dimension_numbers = #tpu.dot_dimension_numbers<[1], [1], [0], [0], [0, 0, 1, 0], [], []>, transpose_lhs_hint = false} : vector<256x1024xf32>, vector<1x1024xf32>, vector<256x1xf32> -> vector<256x1xf32>
    %reduce_sum3A_136 = vector.shape_cast %dot_general3A_135 : vector<256x1xf32> to vector<1x256x1xf32>
    %reduce_sum3A_137 = arith.constant dense<0.000000e+00> : vector<1xf32>
    %reduce_sum3A_138 = vector.multi_reduction <add>, %reduce_sum3A_136, %reduce_sum3A_137 [1, 2] : vector<1x256x1xf32> to vector<1xf32>
    %reduce_sum3A_139 = vector.shape_cast %reduce_sum3A_138 : vector<1xf32> to vector<1x1x1xf32>
    %reduce_sum3A_140 = vector.extract %reduce_sum3A_139[0, 0, 0] : f32 from vector<1x1x1xf32>
    %broadcast_in_dim3A_141 = vector.broadcast %reduce_sum3A_140 : f32 to vector<1x1xf32>
    %reduce_sum3A_142 = vector.shape_cast %sub3A_130 : vector<256xf32> to vector<1x256xf32>
    %reduce_sum3A_143 = arith.constant dense<0.000000e+00> : vector<1xf32>
    %reduce_sum3A_144 = vector.multi_reduction <add>, %reduce_sum3A_142, %reduce_sum3A_143 [1] : vector<1x256xf32> to vector<1xf32>
    %reduce_sum3A_145 = vector.shape_cast %reduce_sum3A_144 : vector<1xf32> to vector<1x1xf32>
    %reduce_sum3A_146 = vector.extract %reduce_sum3A_145[0, 0] : f32 from vector<1x1xf32>
    %add3A_147 = vector.broadcast %reduce_sum3A_146 : f32 to vector<1x1xf32>
    %add3A_148 = arith.addf %broadcast_in_dim3A_141, %add3A_147 : vector<1x1xf32>
    %slice3A_149 = vector.extract_strided_slice %dot_general3A_29 {offsets = [0, 0], sizes = [256, 1024], strides = [1, 1]} : vector<256x2048xf32> to vector<256x1024xf32>
    %slice3A_150 = vector.extract_strided_slice %dot_general3A_29 {offsets = [0, 1024], sizes = [256, 1024], strides = [1, 1]} : vector<256x2048xf32> to vector<256x1024xf32>
    %add3A_151 = vector.broadcast %get3A_3 : vector<1x1024xf32> to vector<256x1024xf32>
    %add3A_152 = arith.addf %add3A_151, %slice3A_150 : vector<256x1024xf32>
    %iota3A_153 = tpu.iota {dimensions = array<i32: 1>} : vector<256x1024xi32>
    %bitcast_convert_type3A_154 = tpu.bitcast %add3A_152 : vector<256x1024xf32> -> vector<256x1024xi32>
    %and3A_155 = arith.constant -1024 : i32
    %and3A_156 = vector.broadcast %and3A_155 : i32 to vector<256x1024xi32>
    %and3A_157 = arith.andi %bitcast_convert_type3A_154, %and3A_156 : vector<256x1024xi32>
    %or3A_158 = arith.ori %and3A_157, %iota3A_153 : vector<256x1024xi32>
    %reduce_min3A_159 = arith.constant dense<2147483647> : vector<256xi32>
    %reduce_min3A_160 = vector.multi_reduction <minsi>, %or3A_158, %reduce_min3A_159 [1] : vector<256x1024xi32> to vector<256xi32>
    %get3A_161 = arith.constant 512 : index
    %get3A_162 = vector.load %arg5[%get3A_161] : memref<1024xi32, #tpu.memory_space<vmem>>, vector<256xi32>
    %mul3A_163 = arith.constant 1024 : i32
    %mul3A_164 = arith.muli %arg0, %mul3A_163 : i32
    %add3A_165 = arith.constant 512 : i32
    %add3A_166 = arith.addi %mul3A_164, %add3A_165 : i32
    %iota3A_167 = tpu.iota {dimensions = array<i32: 1>} : vector<1x256xi32>
    %iota3A_168 = vector.shape_cast %iota3A_167 : vector<1x256xi32> to vector<256xi32>
    %add3A_169 = vector.broadcast %add3A_166 : i32 to vector<256xi32>
    %add3A_170 = arith.addi %add3A_169, %iota3A_168 : vector<256xi32>
    %and3A_171 = arith.constant 1023 : i32
    %and3A_172 = vector.broadcast %and3A_171 : i32 to vector<256xi32>
    %and3A_173 = arith.andi %add3A_170, %and3A_172 : vector<256xi32>
    %add3A_174 = arith.constant 1024 : i32
    %add3A_175 = vector.broadcast %add3A_174 : i32 to vector<256xi32>
    %add3A_176 = arith.addi %add3A_175, %and3A_173 : vector<256xi32>
    %gt3A_177 = arith.constant 0 : i32
    %gt3A_178 = vector.broadcast %gt3A_177 : i32 to vector<256xi32>
    %gt3A_179 = arith.cmpi sgt, %get3A_162, %gt3A_178 : vector<256xi32>
    %and3A_180 = arith.constant 1023 : i32
    %and3A_181 = vector.broadcast %and3A_180 : i32 to vector<256xi32>
    %and3A_182 = arith.andi %reduce_min3A_160, %and3A_181 : vector<256xi32>
    %select_n3A_183 = arith.select %gt3A_179, %and3A_182, %add3A_176 : vector<256xi1>, vector<256xi32>
    %swap3A_184 = arith.constant 512 : index
    %swap3A_185 = vector.load %arg6[%swap3A_184] : memref<1024xi32, #tpu.memory_space<vmem>>, vector<256xi32>
    tpu.vector_store %arg6[%swap3A_184], %select_n3A_183 {strides = array<i32>} : memref<1024xi32, #tpu.memory_space<vmem>>, vector<256xi32>,
    %and3A_186 = arith.constant -1024 : i32
    %and3A_187 = vector.broadcast %and3A_186 : i32 to vector<256xi32>
    %and3A_188 = arith.andi %reduce_min3A_160, %and3A_187 : vector<256xi32>
    %bitcast_convert_type3A_189 = tpu.bitcast %and3A_188 : vector<256xi32> -> vector<256xf32>
    %sub3A_190 = arith.constant 2.000000e+00 : f32
    %sub3A_191 = vector.broadcast %sub3A_190 : f32 to vector<256xf32>
    %sub3A_192 = arith.subf %bitcast_convert_type3A_189, %sub3A_191 : vector<256xf32>
    %mul3A_193 = arith.mulf %slice3A_149, %slice3A_149 : vector<256x1024xf32>
    %broadcast_in_dim3A_194 = arith.constant 1.000000e+00 : f32
    %broadcast_in_dim3A_195 = vector.broadcast %broadcast_in_dim3A_194 : f32 to vector<1x1024xf32>
    %dot_general3A_196 = arith.constant dense<0.000000e+00> : vector<256x1xf32>
    %dot_general3A_197 = tpu.matmul %mul3A_193, %broadcast_in_dim3A_195, %dot_general3A_196 {dimension_numbers = #tpu.dot_dimension_numbers<[1], [1], [0], [0], [0, 0, 1, 0], [], []>, transpose_lhs_hint = false} : vector<256x1024xf32>, vector<1x1024xf32>, vector<256x1xf32> -> vector<256x1xf32>
    %reduce_sum3A_198 = vector.shape_cast %dot_general3A_197 : vector<256x1xf32> to vector<1x256x1xf32>
    %reduce_sum3A_199 = arith.constant dense<0.000000e+00> : vector<1xf32>
    %reduce_sum3A_200 = vector.multi_reduction <add>, %reduce_sum3A_198, %reduce_sum3A_199 [1, 2] : vector<1x256x1xf32> to vector<1xf32>
    %reduce_sum3A_201 = vector.shape_cast %reduce_sum3A_200 : vector<1xf32> to vector<1x1x1xf32>
    %reduce_sum3A_202 = vector.extract %reduce_sum3A_201[0, 0, 0] : f32 from vector<1x1x1xf32>
    %broadcast_in_dim3A_203 = vector.broadcast %reduce_sum3A_202 : f32 to vector<1x1xf32>
    %reduce_sum3A_204 = vector.shape_cast %sub3A_192 : vector<256xf32> to vector<1x256xf32>
    %reduce_sum3A_205 = arith.constant dense<0.000000e+00> : vector<1xf32>
    %reduce_sum3A_206 = vector.multi_reduction <add>, %reduce_sum3A_204, %reduce_sum3A_205 [1] : vector<1x256xf32> to vector<1xf32>
    %reduce_sum3A_207 = vector.shape_cast %reduce_sum3A_206 : vector<1xf32> to vector<1x1xf32>
    %reduce_sum3A_208 = vector.extract %reduce_sum3A_207[0, 0] : f32 from vector<1x1xf32>
    %add3A_209 = vector.broadcast %reduce_sum3A_208 : f32 to vector<1x1xf32>
    %add3A_210 = arith.addf %broadcast_in_dim3A_203, %add3A_209 : vector<1x1xf32>
    %slice3A_211 = vector.extract_strided_slice %dot_general3A_38 {offsets = [0, 0], sizes = [256, 1024], strides = [1, 1]} : vector<256x2048xf32> to vector<256x1024xf32>
    %slice3A_212 = vector.extract_strided_slice %dot_general3A_38 {offsets = [0, 1024], sizes = [256, 1024], strides = [1, 1]} : vector<256x2048xf32> to vector<256x1024xf32>
    %add3A_213 = vector.broadcast %get3A_3 : vector<1x1024xf32> to vector<256x1024xf32>
    %add3A_214 = arith.addf %add3A_213, %slice3A_212 : vector<256x1024xf32>
    %iota3A_215 = tpu.iota {dimensions = array<i32: 1>} : vector<256x1024xi32>
    %bitcast_convert_type3A_216 = tpu.bitcast %add3A_214 : vector<256x1024xf32> -> vector<256x1024xi32>
    %and3A_217 = arith.constant -1024 : i32
    %and3A_218 = vector.broadcast %and3A_217 : i32 to vector<256x1024xi32>
    %and3A_219 = arith.andi %bitcast_convert_type3A_216, %and3A_218 : vector<256x1024xi32>
    %or3A_220 = arith.ori %and3A_219, %iota3A_215 : vector<256x1024xi32>
    %reduce_min3A_221 = arith.constant dense<2147483647> : vector<256xi32>
    %reduce_min3A_222 = vector.multi_reduction <minsi>, %or3A_220, %reduce_min3A_221 [1] : vector<256x1024xi32> to vector<256xi32>
    %get3A_223 = arith.constant 768 : index
    %get3A_224 = vector.load %arg5[%get3A_223] : memref<1024xi32, #tpu.memory_space<vmem>>, vector<256xi32>
    %mul3A_225 = arith.constant 1024 : i32
    %mul3A_226 = arith.muli %arg0, %mul3A_225 : i32
    %add3A_227 = arith.constant 768 : i32
    %add3A_228 = arith.addi %mul3A_226, %add3A_227 : i32
    %iota3A_229 = tpu.iota {dimensions = array<i32: 1>} : vector<1x256xi32>
    %iota3A_230 = vector.shape_cast %iota3A_229 : vector<1x256xi32> to vector<256xi32>
    %add3A_231 = vector.broadcast %add3A_228 : i32 to vector<256xi32>
    %add3A_232 = arith.addi %add3A_231, %iota3A_230 : vector<256xi32>
    %and3A_233 = arith.constant 1023 : i32
    %and3A_234 = vector.broadcast %and3A_233 : i32 to vector<256xi32>
    %and3A_235 = arith.andi %add3A_232, %and3A_234 : vector<256xi32>
    %add3A_236 = arith.constant 1024 : i32
    %add3A_237 = vector.broadcast %add3A_236 : i32 to vector<256xi32>
    %add3A_238 = arith.addi %add3A_237, %and3A_235 : vector<256xi32>
    %gt3A_239 = arith.constant 0 : i32
    %gt3A_240 = vector.broadcast %gt3A_239 : i32 to vector<256xi32>
    %gt3A_241 = arith.cmpi sgt, %get3A_224, %gt3A_240 : vector<256xi32>
    %and3A_242 = arith.constant 1023 : i32
    %and3A_243 = vector.broadcast %and3A_242 : i32 to vector<256xi32>
    %and3A_244 = arith.andi %reduce_min3A_222, %and3A_243 : vector<256xi32>
    %select_n3A_245 = arith.select %gt3A_241, %and3A_244, %add3A_238 : vector<256xi1>, vector<256xi32>
    %swap3A_246 = arith.constant 768 : index
    %swap3A_247 = vector.load %arg6[%swap3A_246] : memref<1024xi32, #tpu.memory_space<vmem>>, vector<256xi32>
    tpu.vector_store %arg6[%swap3A_246], %select_n3A_245 {strides = array<i32>} : memref<1024xi32, #tpu.memory_space<vmem>>, vector<256xi32>,
    %and3A_248 = arith.constant -1024 : i32
    %and3A_249 = vector.broadcast %and3A_248 : i32 to vector<256xi32>
    %and3A_250 = arith.andi %reduce_min3A_222, %and3A_249 : vector<256xi32>
    %bitcast_convert_type3A_251 = tpu.bitcast %and3A_250 : vector<256xi32> -> vector<256xf32>
    %sub3A_252 = arith.constant 2.000000e+00 : f32
    %sub3A_253 = vector.broadcast %sub3A_252 : f32 to vector<256xf32>
    %sub3A_254 = arith.subf %bitcast_convert_type3A_251, %sub3A_253 : vector<256xf32>
    %mul3A_255 = arith.mulf %slice3A_211, %slice3A_211 : vector<256x1024xf32>
    %broadcast_in_dim3A_256 = arith.constant 1.000000e+00 : f32
    %broadcast_in_dim3A_257 = vector.broadcast %broadcast_in_dim3A_256 : f32 to vector<1x1024xf32>
    %dot_general3A_258 = arith.constant dense<0.000000e+00> : vector<256x1xf32>
    %dot_general3A_259 = tpu.matmul %mul3A_255, %broadcast_in_dim3A_257, %dot_general3A_258 {dimension_numbers = #tpu.dot_dimension_numbers<[1], [1], [0], [0], [0, 0, 1, 0], [], []>, transpose_lhs_hint = false} : vector<256x1024xf32>, vector<1x1024xf32>, vector<256x1xf32> -> vector<256x1xf32>
    %reduce_sum3A_260 = vector.shape_cast %dot_general3A_259 : vector<256x1xf32> to vector<1x256x1xf32>
    %reduce_sum3A_261 = arith.constant dense<0.000000e+00> : vector<1xf32>
    %reduce_sum3A_262 = vector.multi_reduction <add>, %reduce_sum3A_260, %reduce_sum3A_261 [1, 2] : vector<1x256x1xf32> to vector<1xf32>
    %reduce_sum3A_263 = vector.shape_cast %reduce_sum3A_262 : vector<1xf32> to vector<1x1x1xf32>
    %reduce_sum3A_264 = vector.extract %reduce_sum3A_263[0, 0, 0] : f32 from vector<1x1x1xf32>
    %broadcast_in_dim3A_265 = vector.broadcast %reduce_sum3A_264 : f32 to vector<1x1xf32>
    %reduce_sum3A_266 = vector.shape_cast %sub3A_254 : vector<256xf32> to vector<1x256xf32>
    %reduce_sum3A_267 = arith.constant dense<0.000000e+00> : vector<1xf32>
    %reduce_sum3A_268 = vector.multi_reduction <add>, %reduce_sum3A_266, %reduce_sum3A_267 [1] : vector<1x256xf32> to vector<1xf32>
    %reduce_sum3A_269 = vector.shape_cast %reduce_sum3A_268 : vector<1xf32> to vector<1x1xf32>
    %reduce_sum3A_270 = vector.extract %reduce_sum3A_269[0, 0] : f32 from vector<1x1xf32>
    %add3A_271 = vector.broadcast %reduce_sum3A_270 : f32 to vector<1x1xf32>
    %add3A_272 = arith.addf %broadcast_in_dim3A_265, %add3A_271 : vector<1x1xf32>
    %add3A_273 = arith.addf %add3A_86, %add3A_148 : vector<1x1xf32>
    %add3A_274 = arith.addf %add3A_273, %add3A_210 : vector<1x1xf32>
    %add3A_275 = arith.addf %add3A_274, %add3A_272 : vector<1x1xf32>
    %eq3A_276 = arith.constant 0 : i32
    %eq3A_277 = arith.cmpi eq, %arg0, %eq3A_276 : i32
    %convert_element_type3A_278 = arith.extui %eq3A_277 : i1 to i32
    %cond3A_279 = arith.constant 0 : i32
    %cond3A_280 = arith.cmpi ne, %convert_element_type3A_278, %cond3A_279 : i32
    scf.if %cond3A_280 {
      %swap3A_285 = arith.constant 0 : index
      %swap3A_286 = arith.constant 0 : index
      %swap3A_287 = vector.load %arg7[%swap3A_285, %swap3A_286] : memref<1x1xf32, #tpu.memory_space<vmem>>, vector<1x1xf32>
      tpu.vector_store %arg7[%swap3A_285, %swap3A_286], %add3A_275 {strides = array<i32>} : memref<1x1xf32, #tpu.memory_space<vmem>>, vector<1x1xf32>,
    } else {
    }
    %ne3A = arith.constant 0 : i32
    %ne3A_281 = arith.cmpi ne, %arg0, %ne3A : i32
    %convert_element_type3A_282 = arith.extui %ne3A_281 : i1 to i32
    %cond3A_283 = arith.constant 0 : i32
    %cond3A_284 = arith.cmpi ne, %convert_element_type3A_282, %cond3A_283 : i32
    scf.if %cond3A_284 {
      %get3A_285 = arith.constant 0 : index
      %get3A_286 = arith.constant 0 : index
      %get3A_287 = vector.load %arg7[%get3A_285, %get3A_286] : memref<1x1xf32, #tpu.memory_space<vmem>>, vector<1x1xf32>
      %add3A_288 = arith.addf %get3A_287, %add3A_275 : vector<1x1xf32>
      %swap3A_289 = arith.constant 0 : index
      %swap3A_290 = arith.constant 0 : index
      %swap3A_291 = vector.load %arg7[%swap3A_289, %swap3A_290] : memref<1x1xf32, #tpu.memory_space<vmem>>, vector<1x1xf32>
      tpu.vector_store %arg7[%swap3A_289, %swap3A_290], %add3A_288 {strides = array<i32>} : memref<1x1xf32, #tpu.memory_space<vmem>>, vector<1x1xf32>,
    } else {
    }
    return
  }
  func.func @transform_0(%arg0: i32) -> (i32, i32) {
    %c0_i32 = arith.constant 0 : i32
    %c0_i32_0 = arith.constant 0 : i32
    return %arg0, %c0_i32 : i32, i32
  }
  func.func @transform_1(%arg0: i32) -> (i32, i32) {
    %c0_i32 = arith.constant 0 : i32
    %c0_i32_0 = arith.constant 0 : i32
    %c0_i32_1 = arith.constant 0 : i32
    return %c0_i32, %c0_i32_0 : i32, i32
  }
  func.func @transform_2(%arg0: i32) -> (i32, i32) {
    %c0_i32 = arith.constant 0 : i32
    %c0_i32_0 = arith.constant 0 : i32
    %c0_i32_1 = arith.constant 0 : i32
    return %c0_i32, %c0_i32_0 : i32, i32
  }
  func.func @transform_3(%arg0: i32) -> (i32, i32) {
    %c0_i32 = arith.constant 0 : i32
    %c0_i32_0 = arith.constant 0 : i32
    %c0_i32_1 = arith.constant 0 : i32
    return %c0_i32, %c0_i32_0 : i32, i32
  }
  func.func @transform_4(%arg0: i32) -> i32 {
    %c0_i32 = arith.constant 0 : i32
    return %arg0 : i32
  }
  func.func @transform_5(%arg0: i32) -> i32 {
    %c0_i32 = arith.constant 0 : i32
    return %arg0 : i32
  }
  func.func @transform_6(%arg0: i32) -> (i32, i32) {
    %c0_i32 = arith.constant 0 : i32
    %c0_i32_0 = arith.constant 0 : i32
    %c0_i32_1 = arith.constant 0 : i32
    return %c0_i32, %c0_i32_0 : i32, i32
  }
  func.func @transform_7(%arg0: i32) -> (i32, i32) {
    %c0_i32 = arith.constant 0 : i32
    %c0_i32_0 = arith.constant 0 : i32
    %c0_i32_1 = arith.constant 0 : i32
    return %c0_i32, %c0_i32_0 : i32, i32
  }
}

module attributes {stable_mosaic.version = 14 : i64} {
  func.func @_s3_alias_body(%arg0: i32, %arg1: memref<8x128xf32, #tpu.memory_space<vmem>>, %arg2: memref<1024x512xi32, #tpu.memory_space<vmem>>, %arg3: memref<1024x1024xf32, #tpu.memory_space<vmem>>, %arg4: memref<1x1024xf32, #tpu.memory_space<vmem>>, %arg5: memref<1x1024xf32, #tpu.memory_space<vmem>>, %arg6: memref<1024x1024xf32, #tpu.memory_space<vmem>>) attributes {dimension_semantics = [#tpu.dimension_semantics<arbitrary>], iteration_bounds = array<i64: 4>, scalar_prefetch = 0 : i64, scratch_operands = 0 : i64, tpu.core_type = #tpu.core_type<tc>, window_params = [{transform_indices = @transform_0, window_bounds = array<i64: 8, 128>}, {transform_indices = @transform_1, window_bounds = array<i64: 1024, 512>}, {transform_indices = @transform_2, window_bounds = array<i64: 1024, 1024>}, {pipeline_mode = #tpu.pipeline_mode<synchronous>, transform_indices = @transform_3, window_bounds = array<i64: 1, 1024>}, {pipeline_mode = #tpu.pipeline_mode<synchronous>, transform_indices = @transform_4, window_bounds = array<i64: 1, 1024>}, {transform_indices = @transform_5, window_bounds = array<i64: 1024, 1024>}]} {
    %get3A = arith.constant 0 : index
    %get3A_0 = arith.constant 0 : index
    %get3A_1 = vector.load %arg2[%get3A, %get3A_0] : memref<1024x512xi32, #tpu.memory_space<vmem>>, vector<1024x512xi32>
    %bitcast_convert_type3A = tpu.bitcast %get3A_1 : vector<1024x512xi32> -> vector<1024x512xi32>
    %shift_left3A = arith.constant 16 : i32
    %shift_left3A_2 = vector.broadcast %shift_left3A : i32 to vector<1024x512xi32>
    %shift_left3A_3 = arith.shli %bitcast_convert_type3A, %shift_left3A_2 : vector<1024x512xi32>
    %bitcast_convert_type3A_4 = tpu.bitcast %shift_left3A_3 : vector<1024x512xi32> -> vector<1024x512xf32>
    %and3A = arith.constant -65536 : i32
    %and3A_5 = vector.broadcast %and3A : i32 to vector<1024x512xi32>
    %and3A_6 = arith.andi %bitcast_convert_type3A, %and3A_5 : vector<1024x512xi32>
    %bitcast_convert_type3A_7 = tpu.bitcast %and3A_6 : vector<1024x512xi32> -> vector<1024x512xf32>
    %get3A_8 = arith.constant 0 : index
    %get3A_9 = arith.constant 0 : index
    %get3A_10 = vector.load %arg3[%get3A_8, %get3A_9] : memref<1024x1024xf32, #tpu.memory_space<vmem>>, vector<1024x512xf32>
    %add3A = arith.addf %get3A_10, %bitcast_convert_type3A_4 : vector<1024x512xf32>
    %get3A_11 = arith.constant 0 : index
    %get3A_12 = arith.constant 512 : index
    %get3A_13 = vector.load %arg3[%get3A_11, %get3A_12] : memref<1024x1024xf32, #tpu.memory_space<vmem>>, vector<1024x512xf32>
    %add3A_14 = arith.addf %get3A_13, %bitcast_convert_type3A_7 : vector<1024x512xf32>
    %reduce_sum3A = arith.constant dense<0.000000e+00> : vector<1024xf32>
    %reduce_sum3A_15 = vector.multi_reduction <add>, %add3A, %reduce_sum3A [1] : vector<1024x512xf32> to vector<1024xf32>
    %broadcast_in_dim3A = vector.shape_cast %reduce_sum3A_15 : vector<1024xf32> to vector<1024x1xf32>
    %reduce_sum3A_16 = arith.constant dense<0.000000e+00> : vector<1024xf32>
    %reduce_sum3A_17 = vector.multi_reduction <add>, %add3A_14, %reduce_sum3A_16 [1] : vector<1024x512xf32> to vector<1024xf32>
    %broadcast_in_dim3A_18 = vector.shape_cast %reduce_sum3A_17 : vector<1024xf32> to vector<1024x1xf32>
    %add3A_19 = arith.addf %broadcast_in_dim3A, %broadcast_in_dim3A_18 : vector<1024x1xf32>
    %mul3A = arith.constant 9.765625E-4 : f32
    %mul3A_20 = vector.broadcast %mul3A : f32 to vector<1024x1xf32>
    %mul3A_21 = arith.mulf %add3A_19, %mul3A_20 : vector<1024x1xf32>
    %sub3A = vector.broadcast %mul3A_21 : vector<1024x1xf32> to vector<1024x512xf32>
    %sub3A_22 = arith.subf %add3A, %sub3A : vector<1024x512xf32>
    %sub3A_23 = vector.broadcast %mul3A_21 : vector<1024x1xf32> to vector<1024x512xf32>
    %sub3A_24 = arith.subf %add3A_14, %sub3A_23 : vector<1024x512xf32>
    %mul3A_25 = arith.mulf %sub3A_22, %sub3A_22 : vector<1024x512xf32>
    %reduce_sum3A_26 = arith.constant dense<0.000000e+00> : vector<1024xf32>
    %reduce_sum3A_27 = vector.multi_reduction <add>, %mul3A_25, %reduce_sum3A_26 [1] : vector<1024x512xf32> to vector<1024xf32>
    %broadcast_in_dim3A_28 = vector.shape_cast %reduce_sum3A_27 : vector<1024xf32> to vector<1024x1xf32>
    %mul3A_29 = arith.mulf %sub3A_24, %sub3A_24 : vector<1024x512xf32>
    %reduce_sum3A_30 = arith.constant dense<0.000000e+00> : vector<1024xf32>
    %reduce_sum3A_31 = vector.multi_reduction <add>, %mul3A_29, %reduce_sum3A_30 [1] : vector<1024x512xf32> to vector<1024xf32>
    %broadcast_in_dim3A_32 = vector.shape_cast %reduce_sum3A_31 : vector<1024xf32> to vector<1024x1xf32>
    %add3A_33 = arith.addf %broadcast_in_dim3A_28, %broadcast_in_dim3A_32 : vector<1024x1xf32>
    %mul3A_34 = arith.constant 9.765625E-4 : f32
    %mul3A_35 = vector.broadcast %mul3A_34 : f32 to vector<1024x1xf32>
    %mul3A_36 = arith.mulf %add3A_33, %mul3A_35 : vector<1024x1xf32>
    %add3A_37 = arith.constant 9.99999974E-6 : f32
    %add3A_38 = vector.broadcast %add3A_37 : f32 to vector<1024x1xf32>
    %add3A_39 = arith.addf %mul3A_36, %add3A_38 : vector<1024x1xf32>
    %rsqrt3A = math.rsqrt %add3A_39 : vector<1024x1xf32>
    %mul3A_40 = vector.broadcast %rsqrt3A : vector<1024x1xf32> to vector<1024x512xf32>
    %mul3A_41 = arith.mulf %sub3A_22, %mul3A_40 : vector<1024x512xf32>
    %get3A_42 = arith.constant 0 : index
    %get3A_43 = arith.constant 0 : index
    %get3A_44 = vector.load %arg4[%get3A_42, %get3A_43] : memref<1x1024xf32, #tpu.memory_space<vmem>>, vector<1x512xf32>
    %mul3A_45 = vector.broadcast %get3A_44 : vector<1x512xf32> to vector<1024x512xf32>
    %mul3A_46 = arith.mulf %mul3A_41, %mul3A_45 : vector<1024x512xf32>
    %get3A_47 = arith.constant 0 : index
    %get3A_48 = arith.constant 0 : index
    %get3A_49 = vector.load %arg5[%get3A_47, %get3A_48] : memref<1x1024xf32, #tpu.memory_space<vmem>>, vector<1x512xf32>
    %add3A_50 = vector.broadcast %get3A_49 : vector<1x512xf32> to vector<1024x512xf32>
    %add3A_51 = arith.addf %mul3A_46, %add3A_50 : vector<1024x512xf32>
    %swap3A = arith.constant 0 : index
    %swap3A_52 = arith.constant 0 : index
    %swap3A_53 = vector.load %arg6[%swap3A, %swap3A_52] : memref<1024x1024xf32, #tpu.memory_space<vmem>>, vector<1024x512xf32>
    tpu.vector_store %arg6[%swap3A, %swap3A_52], %add3A_51 {strides = array<i32>} : memref<1024x1024xf32, #tpu.memory_space<vmem>>, vector<1024x512xf32>,
    %mul3A_54 = vector.broadcast %rsqrt3A : vector<1024x1xf32> to vector<1024x512xf32>
    %mul3A_55 = arith.mulf %sub3A_24, %mul3A_54 : vector<1024x512xf32>
    %get3A_56 = arith.constant 0 : index
    %get3A_57 = arith.constant 512 : index
    %get3A_58 = vector.load %arg4[%get3A_56, %get3A_57] : memref<1x1024xf32, #tpu.memory_space<vmem>>, vector<1x512xf32>
    %mul3A_59 = vector.broadcast %get3A_58 : vector<1x512xf32> to vector<1024x512xf32>
    %mul3A_60 = arith.mulf %mul3A_55, %mul3A_59 : vector<1024x512xf32>
    %get3A_61 = arith.constant 0 : index
    %get3A_62 = arith.constant 512 : index
    %get3A_63 = vector.load %arg5[%get3A_61, %get3A_62] : memref<1x1024xf32, #tpu.memory_space<vmem>>, vector<1x512xf32>
    %add3A_64 = vector.broadcast %get3A_63 : vector<1x512xf32> to vector<1024x512xf32>
    %add3A_65 = arith.addf %mul3A_60, %add3A_64 : vector<1024x512xf32>
    %swap3A_66 = arith.constant 0 : index
    %swap3A_67 = arith.constant 512 : index
    %swap3A_68 = vector.load %arg6[%swap3A_66, %swap3A_67] : memref<1024x1024xf32, #tpu.memory_space<vmem>>, vector<1024x512xf32>
    tpu.vector_store %arg6[%swap3A_66, %swap3A_67], %add3A_65 {strides = array<i32>} : memref<1024x1024xf32, #tpu.memory_space<vmem>>, vector<1024x512xf32>,
    return
  }
  func.func @transform_0(%arg0: i32) -> (i32, i32) {
    %c0_i32 = arith.constant 0 : i32
    %c0_i32_0 = arith.constant 0 : i32
    %c0_i32_1 = arith.constant 0 : i32
    return %c0_i32, %c0_i32_0 : i32, i32
  }
  func.func @transform_1(%arg0: i32) -> (i32, i32) {
    %c0_i32 = arith.constant 0 : i32
    %c0_i32_0 = arith.constant 0 : i32
    return %arg0, %c0_i32 : i32, i32
  }
  func.func @transform_2(%arg0: i32) -> (i32, i32) {
    %add3A = arith.constant 4 : i32
    %add3A_0 = arith.addi %arg0, %add3A : i32
    %c0_i32 = arith.constant 0 : i32
    %c0_i32_1 = arith.constant 0 : i32
    return %add3A_0, %c0_i32 : i32, i32
  }
  func.func @transform_3(%arg0: i32) -> (i32, i32) {
    %c0_i32 = arith.constant 0 : i32
    %c0_i32_0 = arith.constant 0 : i32
    %c0_i32_1 = arith.constant 0 : i32
    return %c0_i32, %c0_i32_0 : i32, i32
  }
  func.func @transform_4(%arg0: i32) -> (i32, i32) {
    %c0_i32 = arith.constant 0 : i32
    %c0_i32_0 = arith.constant 0 : i32
    %c0_i32_1 = arith.constant 0 : i32
    return %c0_i32, %c0_i32_0 : i32, i32
  }
  func.func @transform_5(%arg0: i32) -> (i32, i32) {
    %add3A = arith.constant 4 : i32
    %add3A_0 = arith.addi %arg0, %add3A : i32
    %c0_i32 = arith.constant 0 : i32
    %c0_i32_1 = arith.constant 0 : i32
    return %add3A_0, %c0_i32 : i32, i32
  }
}

module attributes {stable_mosaic.version = 14 : i64} {
  func.func @_s1b_body(%arg0: i32, %arg1: memref<1024x1024xf32, #tpu.memory_space<vmem>>, %arg2: memref<1024x1024xf32, #tpu.memory_space<vmem>>, %arg3: memref<1024x1024xf32, #tpu.memory_space<vmem>>, %arg4: memref<1024xi32, #tpu.memory_space<vmem>>, %arg5: memref<1024xi32, #tpu.memory_space<vmem>>, %arg6: memref<1x1xf32, #tpu.memory_space<vmem>>, %arg7: memref<2048x1024xbf16, #tpu.memory_space<vmem>>, %arg8: memref<1x1024xf32, #tpu.memory_space<vmem>>) attributes {dimension_semantics = [#tpu.dimension_semantics<arbitrary>], iteration_bounds = array<i64: 4>, scalar_prefetch = 0 : i64, scratch_operands = 2 : i64, tpu.core_type = #tpu.core_type<tc>, window_params = [{transform_indices = @transform_0, window_bounds = array<i64: 1024, 1024>}, {pipeline_mode = #tpu.pipeline_mode<synchronous>, transform_indices = @transform_1, window_bounds = array<i64: 1024, 1024>}, {pipeline_mode = #tpu.pipeline_mode<synchronous>, transform_indices = @transform_2, window_bounds = array<i64: 1024, 1024>}, {transform_indices = @transform_3, window_bounds = array<i64: 1024>}, {transform_indices = @transform_4, window_bounds = array<i64: 1024>}, {pipeline_mode = #tpu.pipeline_mode<synchronous>, transform_indices = @transform_5, window_bounds = array<i64: 1, 1>}]} {
    %eq3A = arith.constant 0 : i32
    %eq3A_0 = arith.cmpi eq, %arg0, %eq3A : i32
    %convert_element_type3A = arith.extui %eq3A_0 : i1 to i32
    %cond3A = arith.constant 0 : i32
    %cond3A_1 = arith.cmpi ne, %convert_element_type3A, %cond3A : i32
    scf.if %cond3A_1 {
      %get3A_285 = arith.constant 0 : index
      %get3A_286 = arith.constant 0 : index
      %get3A_287 = vector.load %arg2[%get3A_285, %get3A_286] : memref<1024x1024xf32, #tpu.memory_space<vmem>>, vector<1024x1024xf32>
      %convert_element_type3A_288 = arith.truncf %get3A_287 : vector<1024x1024xf32> to vector<1024x1024xbf16>
      %get3A_289 = arith.constant 0 : index
      %get3A_290 = arith.constant 0 : index
      %get3A_291 = vector.load %arg3[%get3A_289, %get3A_290] : memref<1024x1024xf32, #tpu.memory_space<vmem>>, vector<1024x1024xf32>
      %convert_element_type3A_292 = arith.truncf %get3A_291 : vector<1024x1024xf32> to vector<1024x1024xbf16>
      %swap3A_293 = arith.constant 0 : index
      %swap3A_294 = arith.constant 0 : index
      %swap3A_295 = vector.load %arg7[%swap3A_293, %swap3A_294] : memref<2048x1024xbf16, #tpu.memory_space<vmem>>, vector<1024x1024xbf16>
      tpu.vector_store %arg7[%swap3A_293, %swap3A_294], %convert_element_type3A_288 {strides = array<i32>} : memref<2048x1024xbf16, #tpu.memory_space<vmem>>, vector<1024x1024xbf16>,
      %dot_general3A_296 = arith.constant dense<0.000000e+00> : vector<1024x1024xf32>
      %dot_general3A_297 = tpu.matmul %convert_element_type3A_292, %convert_element_type3A_288, %dot_general3A_296 {dimension_numbers = #tpu.dot_dimension_numbers<[1], [0], [0], [1], [0, 0, 1, 1], [], []>, transpose_lhs_hint = false} : vector<1024x1024xbf16>, vector<1024x1024xbf16>, vector<1024x1024xf32> -> vector<1024x1024xf32>
      %mul3A_298 = arith.constant -2.000000e+00 : f32
      %mul3A_299 = vector.broadcast %mul3A_298 : f32 to vector<1024x1024xf32>
      %mul3A_300 = arith.mulf %mul3A_299, %dot_general3A_297 : vector<1024x1024xf32>
      %convert_element_type3A_301 = arith.truncf %mul3A_300 : vector<1024x1024xf32> to vector<1024x1024xbf16>
      %swap3A_302 = arith.constant 1024 : index
      %swap3A_303 = arith.constant 0 : index
      %swap3A_304 = vector.load %arg7[%swap3A_302, %swap3A_303] : memref<2048x1024xbf16, #tpu.memory_space<vmem>>, vector<1024x1024xbf16>
      tpu.vector_store %arg7[%swap3A_302, %swap3A_303], %convert_element_type3A_301 {strides = array<i32>} : memref<2048x1024xbf16, #tpu.memory_space<vmem>>, vector<1024x1024xbf16>,
      %get3A_305 = arith.constant 0 : index
      %get3A_306 = arith.constant 0 : index
      %get3A_307 = vector.load %arg3[%get3A_305, %get3A_306] : memref<1024x1024xf32, #tpu.memory_space<vmem>>, vector<1024x1024xf32>
      %broadcast_in_dim3A_308 = arith.constant 1.000000e+00 : f32
      %broadcast_in_dim3A_309 = vector.broadcast %broadcast_in_dim3A_308 : f32 to vector<1x1024xf32>
      %mul3A_310 = arith.mulf %get3A_307, %get3A_307 : vector<1024x1024xf32>
      %dot_general3A_311 = arith.constant dense<0.000000e+00> : vector<1x1024xf32>
      %dot_general3A_312 = tpu.matmul %broadcast_in_dim3A_309, %mul3A_310, %dot_general3A_311 {dimension_numbers = #tpu.dot_dimension_numbers<[1], [1], [0], [0], [0, 0, 1, 0], [], []>, transpose_lhs_hint = false} : vector<1x1024xf32>, vector<1024x1024xf32>, vector<1x1024xf32> -> vector<1x1024xf32>
      %add3A_313 = arith.constant 2.000000e+00 : f32
      %add3A_314 = vector.broadcast %add3A_313 : f32 to vector<1x1024xf32>
      %add3A_315 = arith.addf %dot_general3A_312, %add3A_314 : vector<1x1024xf32>
      %swap3A_316 = arith.constant 0 : index
      %swap3A_317 = arith.constant 0 : index
      %swap3A_318 = vector.load %arg8[%swap3A_316, %swap3A_317] : memref<1x1024xf32, #tpu.memory_space<vmem>>, vector<1x1024xf32>
      tpu.vector_store %arg8[%swap3A_316, %swap3A_317], %add3A_315 {strides = array<i32>} : memref<1x1024xf32, #tpu.memory_space<vmem>>, vector<1x1024xf32>,
    } else {
    }
    %get3A = arith.constant 0 : index
    %get3A_2 = arith.constant 0 : index
    %get3A_3 = vector.load %arg8[%get3A, %get3A_2] : memref<1x1024xf32, #tpu.memory_space<vmem>>, vector<1x1024xf32>
    %get3A_4 = arith.constant 0 : index
    %get3A_5 = arith.constant 0 : index
    %get3A_6 = vector.load %arg1[%get3A_4, %get3A_5] : memref<1024x1024xf32, #tpu.memory_space<vmem>>, vector<256x1024xf32>
    %convert_element_type3A_7 = arith.truncf %get3A_6 : vector<256x1024xf32> to vector<256x1024xbf16>
    %get3A_8 = arith.constant 0 : index
    %get3A_9 = arith.constant 0 : index
    %get3A_10 = vector.load %arg7[%get3A_8, %get3A_9] : memref<2048x1024xbf16, #tpu.memory_space<vmem>>, vector<2048x1024xbf16>
    %dot_general3A = arith.constant dense<0.000000e+00> : vector<256x2048xf32>
    %dot_general3A_11 = tpu.matmul %convert_element_type3A_7, %get3A_10, %dot_general3A {dimension_numbers = #tpu.dot_dimension_numbers<[1], [1], [0], [0], [0, 0, 1, 0], [], []>, transpose_lhs_hint = false} : vector<256x1024xbf16>, vector<2048x1024xbf16>, vector<256x2048xf32> -> vector<256x2048xf32>
    %get3A_12 = arith.constant 256 : index
    %get3A_13 = arith.constant 0 : index
    %get3A_14 = vector.load %arg1[%get3A_12, %get3A_13] : memref<1024x1024xf32, #tpu.memory_space<vmem>>, vector<256x1024xf32>
    %convert_element_type3A_15 = arith.truncf %get3A_14 : vector<256x1024xf32> to vector<256x1024xbf16>
    %get3A_16 = arith.constant 0 : index
    %get3A_17 = arith.constant 0 : index
    %get3A_18 = vector.load %arg7[%get3A_16, %get3A_17] : memref<2048x1024xbf16, #tpu.memory_space<vmem>>, vector<2048x1024xbf16>
    %dot_general3A_19 = arith.constant dense<0.000000e+00> : vector<256x2048xf32>
    %dot_general3A_20 = tpu.matmul %convert_element_type3A_15, %get3A_18, %dot_general3A_19 {dimension_numbers = #tpu.dot_dimension_numbers<[1], [1], [0], [0], [0, 0, 1, 0], [], []>, transpose_lhs_hint = false} : vector<256x1024xbf16>, vector<2048x1024xbf16>, vector<256x2048xf32> -> vector<256x2048xf32>
    %get3A_21 = arith.constant 512 : index
    %get3A_22 = arith.constant 0 : index
    %get3A_23 = vector.load %arg1[%get3A_21, %get3A_22] : memref<1024x1024xf32, #tpu.memory_space<vmem>>, vector<256x1024xf32>
    %convert_element_type3A_24 = arith.truncf %get3A_23 : vector<256x1024xf32> to vector<256x1024xbf16>
    %get3A_25 = arith.constant 0 : index
    %get3A_26 = arith.constant 0 : index
    %get3A_27 = vector.load %arg7[%get3A_25, %get3A_26] : memref<2048x1024xbf16, #tpu.memory_space<vmem>>, vector<2048x1024xbf16>
    %dot_general3A_28 = arith.constant dense<0.000000e+00> : vector<256x2048xf32>
    %dot_general3A_29 = tpu.matmul %convert_element_type3A_24, %get3A_27, %dot_general3A_28 {dimension_numbers = #tpu.dot_dimension_numbers<[1], [1], [0], [0], [0, 0, 1, 0], [], []>, transpose_lhs_hint = false} : vector<256x1024xbf16>, vector<2048x1024xbf16>, vector<256x2048xf32> -> vector<256x2048xf32>
    %get3A_30 = arith.constant 768 : index
    %get3A_31 = arith.constant 0 : index
    %get3A_32 = vector.load %arg1[%get3A_30, %get3A_31] : memref<1024x1024xf32, #tpu.memory_space<vmem>>, vector<256x1024xf32>
    %convert_element_type3A_33 = arith.truncf %get3A_32 : vector<256x1024xf32> to vector<256x1024xbf16>
    %get3A_34 = arith.constant 0 : index
    %get3A_35 = arith.constant 0 : index
    %get3A_36 = vector.load %arg7[%get3A_34, %get3A_35] : memref<2048x1024xbf16, #tpu.memory_space<vmem>>, vector<2048x1024xbf16>
    %dot_general3A_37 = arith.constant dense<0.000000e+00> : vector<256x2048xf32>
    %dot_general3A_38 = tpu.matmul %convert_element_type3A_33, %get3A_36, %dot_general3A_37 {dimension_numbers = #tpu.dot_dimension_numbers<[1], [1], [0], [0], [0, 0, 1, 0], [], []>, transpose_lhs_hint = false} : vector<256x1024xbf16>, vector<2048x1024xbf16>, vector<256x2048xf32> -> vector<256x2048xf32>
    %slice3A = vector.extract_strided_slice %dot_general3A_11 {offsets = [0, 0], sizes = [256, 1024], strides = [1, 1]} : vector<256x2048xf32> to vector<256x1024xf32>
    %slice3A_39 = vector.extract_strided_slice %dot_general3A_11 {offsets = [0, 1024], sizes = [256, 1024], strides = [1, 1]} : vector<256x2048xf32> to vector<256x1024xf32>
    %add3A = vector.broadcast %get3A_3 : vector<1x1024xf32> to vector<256x1024xf32>
    %add3A_40 = arith.addf %add3A, %slice3A_39 : vector<256x1024xf32>
    %iota3A = tpu.iota {dimensions = array<i32: 1>} : vector<256x1024xi32>
    %bitcast_convert_type3A = tpu.bitcast %add3A_40 : vector<256x1024xf32> -> vector<256x1024xi32>
    %and3A = arith.constant -1024 : i32
    %and3A_41 = vector.broadcast %and3A : i32 to vector<256x1024xi32>
    %and3A_42 = arith.andi %bitcast_convert_type3A, %and3A_41 : vector<256x1024xi32>
    %or3A = arith.ori %and3A_42, %iota3A : vector<256x1024xi32>
    %reduce_min3A = arith.constant dense<2147483647> : vector<256xi32>
    %reduce_min3A_43 = vector.multi_reduction <minsi>, %or3A, %reduce_min3A [1] : vector<256x1024xi32> to vector<256xi32>
    %get3A_44 = arith.constant 0 : index
    %get3A_45 = vector.load %arg4[%get3A_44] : memref<1024xi32, #tpu.memory_space<vmem>>, vector<256xi32>
    %mul3A = arith.constant 1024 : i32
    %mul3A_46 = arith.muli %arg0, %mul3A : i32
    %add3A_47 = arith.constant 0 : i32
    %add3A_48 = arith.addi %mul3A_46, %add3A_47 : i32
    %iota3A_49 = tpu.iota {dimensions = array<i32: 1>} : vector<1x256xi32>
    %iota3A_50 = vector.shape_cast %iota3A_49 : vector<1x256xi32> to vector<256xi32>
    %add3A_51 = vector.broadcast %add3A_48 : i32 to vector<256xi32>
    %add3A_52 = arith.addi %add3A_51, %iota3A_50 : vector<256xi32>
    %and3A_53 = arith.constant 1023 : i32
    %and3A_54 = vector.broadcast %and3A_53 : i32 to vector<256xi32>
    %and3A_55 = arith.andi %add3A_52, %and3A_54 : vector<256xi32>
    %add3A_56 = arith.constant 1024 : i32
    %add3A_57 = vector.broadcast %add3A_56 : i32 to vector<256xi32>
    %add3A_58 = arith.addi %add3A_57, %and3A_55 : vector<256xi32>
    %gt3A = arith.constant 0 : i32
    %gt3A_59 = vector.broadcast %gt3A : i32 to vector<256xi32>
    %gt3A_60 = arith.cmpi sgt, %get3A_45, %gt3A_59 : vector<256xi32>
    %and3A_61 = arith.constant 1023 : i32
    %and3A_62 = vector.broadcast %and3A_61 : i32 to vector<256xi32>
    %and3A_63 = arith.andi %reduce_min3A_43, %and3A_62 : vector<256xi32>
    %select_n3A = arith.select %gt3A_60, %and3A_63, %add3A_58 : vector<256xi1>, vector<256xi32>
    %swap3A = arith.constant 0 : index
    %swap3A_64 = vector.load %arg5[%swap3A] : memref<1024xi32, #tpu.memory_space<vmem>>, vector<256xi32>
    tpu.vector_store %arg5[%swap3A], %select_n3A {strides = array<i32>} : memref<1024xi32, #tpu.memory_space<vmem>>, vector<256xi32>,
    %and3A_65 = arith.constant -1024 : i32
    %and3A_66 = vector.broadcast %and3A_65 : i32 to vector<256xi32>
    %and3A_67 = arith.andi %reduce_min3A_43, %and3A_66 : vector<256xi32>
    %bitcast_convert_type3A_68 = tpu.bitcast %and3A_67 : vector<256xi32> -> vector<256xf32>
    %sub3A = arith.constant 2.000000e+00 : f32
    %sub3A_69 = vector.broadcast %sub3A : f32 to vector<256xf32>
    %sub3A_70 = arith.subf %bitcast_convert_type3A_68, %sub3A_69 : vector<256xf32>
    %mul3A_71 = arith.mulf %slice3A, %slice3A : vector<256x1024xf32>
    %broadcast_in_dim3A = arith.constant 1.000000e+00 : f32
    %broadcast_in_dim3A_72 = vector.broadcast %broadcast_in_dim3A : f32 to vector<1x1024xf32>
    %dot_general3A_73 = arith.constant dense<0.000000e+00> : vector<256x1xf32>
    %dot_general3A_74 = tpu.matmul %mul3A_71, %broadcast_in_dim3A_72, %dot_general3A_73 {dimension_numbers = #tpu.dot_dimension_numbers<[1], [1], [0], [0], [0, 0, 1, 0], [], []>, transpose_lhs_hint = false} : vector<256x1024xf32>, vector<1x1024xf32>, vector<256x1xf32> -> vector<256x1xf32>
    %reduce_sum3A = vector.shape_cast %dot_general3A_74 : vector<256x1xf32> to vector<1x256x1xf32>
    %reduce_sum3A_75 = arith.constant dense<0.000000e+00> : vector<1xf32>
    %reduce_sum3A_76 = vector.multi_reduction <add>, %reduce_sum3A, %reduce_sum3A_75 [1, 2] : vector<1x256x1xf32> to vector<1xf32>
    %reduce_sum3A_77 = vector.shape_cast %reduce_sum3A_76 : vector<1xf32> to vector<1x1x1xf32>
    %reduce_sum3A_78 = vector.extract %reduce_sum3A_77[0, 0, 0] : f32 from vector<1x1x1xf32>
    %broadcast_in_dim3A_79 = vector.broadcast %reduce_sum3A_78 : f32 to vector<1x1xf32>
    %reduce_sum3A_80 = vector.shape_cast %sub3A_70 : vector<256xf32> to vector<1x256xf32>
    %reduce_sum3A_81 = arith.constant dense<0.000000e+00> : vector<1xf32>
    %reduce_sum3A_82 = vector.multi_reduction <add>, %reduce_sum3A_80, %reduce_sum3A_81 [1] : vector<1x256xf32> to vector<1xf32>
    %reduce_sum3A_83 = vector.shape_cast %reduce_sum3A_82 : vector<1xf32> to vector<1x1xf32>
    %reduce_sum3A_84 = vector.extract %reduce_sum3A_83[0, 0] : f32 from vector<1x1xf32>
    %add3A_85 = vector.broadcast %reduce_sum3A_84 : f32 to vector<1x1xf32>
    %add3A_86 = arith.addf %broadcast_in_dim3A_79, %add3A_85 : vector<1x1xf32>
    %slice3A_87 = vector.extract_strided_slice %dot_general3A_20 {offsets = [0, 0], sizes = [256, 1024], strides = [1, 1]} : vector<256x2048xf32> to vector<256x1024xf32>
    %slice3A_88 = vector.extract_strided_slice %dot_general3A_20 {offsets = [0, 1024], sizes = [256, 1024], strides = [1, 1]} : vector<256x2048xf32> to vector<256x1024xf32>
    %add3A_89 = vector.broadcast %get3A_3 : vector<1x1024xf32> to vector<256x1024xf32>
    %add3A_90 = arith.addf %add3A_89, %slice3A_88 : vector<256x1024xf32>
    %iota3A_91 = tpu.iota {dimensions = array<i32: 1>} : vector<256x1024xi32>
    %bitcast_convert_type3A_92 = tpu.bitcast %add3A_90 : vector<256x1024xf32> -> vector<256x1024xi32>
    %and3A_93 = arith.constant -1024 : i32
    %and3A_94 = vector.broadcast %and3A_93 : i32 to vector<256x1024xi32>
    %and3A_95 = arith.andi %bitcast_convert_type3A_92, %and3A_94 : vector<256x1024xi32>
    %or3A_96 = arith.ori %and3A_95, %iota3A_91 : vector<256x1024xi32>
    %reduce_min3A_97 = arith.constant dense<2147483647> : vector<256xi32>
    %reduce_min3A_98 = vector.multi_reduction <minsi>, %or3A_96, %reduce_min3A_97 [1] : vector<256x1024xi32> to vector<256xi32>
    %get3A_99 = arith.constant 256 : index
    %get3A_100 = vector.load %arg4[%get3A_99] : memref<1024xi32, #tpu.memory_space<vmem>>, vector<256xi32>
    %mul3A_101 = arith.constant 1024 : i32
    %mul3A_102 = arith.muli %arg0, %mul3A_101 : i32
    %add3A_103 = arith.constant 256 : i32
    %add3A_104 = arith.addi %mul3A_102, %add3A_103 : i32
    %iota3A_105 = tpu.iota {dimensions = array<i32: 1>} : vector<1x256xi32>
    %iota3A_106 = vector.shape_cast %iota3A_105 : vector<1x256xi32> to vector<256xi32>
    %add3A_107 = vector.broadcast %add3A_104 : i32 to vector<256xi32>
    %add3A_108 = arith.addi %add3A_107, %iota3A_106 : vector<256xi32>
    %and3A_109 = arith.constant 1023 : i32
    %and3A_110 = vector.broadcast %and3A_109 : i32 to vector<256xi32>
    %and3A_111 = arith.andi %add3A_108, %and3A_110 : vector<256xi32>
    %add3A_112 = arith.constant 1024 : i32
    %add3A_113 = vector.broadcast %add3A_112 : i32 to vector<256xi32>
    %add3A_114 = arith.addi %add3A_113, %and3A_111 : vector<256xi32>
    %gt3A_115 = arith.constant 0 : i32
    %gt3A_116 = vector.broadcast %gt3A_115 : i32 to vector<256xi32>
    %gt3A_117 = arith.cmpi sgt, %get3A_100, %gt3A_116 : vector<256xi32>
    %and3A_118 = arith.constant 1023 : i32
    %and3A_119 = vector.broadcast %and3A_118 : i32 to vector<256xi32>
    %and3A_120 = arith.andi %reduce_min3A_98, %and3A_119 : vector<256xi32>
    %select_n3A_121 = arith.select %gt3A_117, %and3A_120, %add3A_114 : vector<256xi1>, vector<256xi32>
    %swap3A_122 = arith.constant 256 : index
    %swap3A_123 = vector.load %arg5[%swap3A_122] : memref<1024xi32, #tpu.memory_space<vmem>>, vector<256xi32>
    tpu.vector_store %arg5[%swap3A_122], %select_n3A_121 {strides = array<i32>} : memref<1024xi32, #tpu.memory_space<vmem>>, vector<256xi32>,
    %and3A_124 = arith.constant -1024 : i32
    %and3A_125 = vector.broadcast %and3A_124 : i32 to vector<256xi32>
    %and3A_126 = arith.andi %reduce_min3A_98, %and3A_125 : vector<256xi32>
    %bitcast_convert_type3A_127 = tpu.bitcast %and3A_126 : vector<256xi32> -> vector<256xf32>
    %sub3A_128 = arith.constant 2.000000e+00 : f32
    %sub3A_129 = vector.broadcast %sub3A_128 : f32 to vector<256xf32>
    %sub3A_130 = arith.subf %bitcast_convert_type3A_127, %sub3A_129 : vector<256xf32>
    %mul3A_131 = arith.mulf %slice3A_87, %slice3A_87 : vector<256x1024xf32>
    %broadcast_in_dim3A_132 = arith.constant 1.000000e+00 : f32
    %broadcast_in_dim3A_133 = vector.broadcast %broadcast_in_dim3A_132 : f32 to vector<1x1024xf32>
    %dot_general3A_134 = arith.constant dense<0.000000e+00> : vector<256x1xf32>
    %dot_general3A_135 = tpu.matmul %mul3A_131, %broadcast_in_dim3A_133, %dot_general3A_134 {dimension_numbers = #tpu.dot_dimension_numbers<[1], [1], [0], [0], [0, 0, 1, 0], [], []>, transpose_lhs_hint = false} : vector<256x1024xf32>, vector<1x1024xf32>, vector<256x1xf32> -> vector<256x1xf32>
    %reduce_sum3A_136 = vector.shape_cast %dot_general3A_135 : vector<256x1xf32> to vector<1x256x1xf32>
    %reduce_sum3A_137 = arith.constant dense<0.000000e+00> : vector<1xf32>
    %reduce_sum3A_138 = vector.multi_reduction <add>, %reduce_sum3A_136, %reduce_sum3A_137 [1, 2] : vector<1x256x1xf32> to vector<1xf32>
    %reduce_sum3A_139 = vector.shape_cast %reduce_sum3A_138 : vector<1xf32> to vector<1x1x1xf32>
    %reduce_sum3A_140 = vector.extract %reduce_sum3A_139[0, 0, 0] : f32 from vector<1x1x1xf32>
    %broadcast_in_dim3A_141 = vector.broadcast %reduce_sum3A_140 : f32 to vector<1x1xf32>
    %reduce_sum3A_142 = vector.shape_cast %sub3A_130 : vector<256xf32> to vector<1x256xf32>
    %reduce_sum3A_143 = arith.constant dense<0.000000e+00> : vector<1xf32>
    %reduce_sum3A_144 = vector.multi_reduction <add>, %reduce_sum3A_142, %reduce_sum3A_143 [1] : vector<1x256xf32> to vector<1xf32>
    %reduce_sum3A_145 = vector.shape_cast %reduce_sum3A_144 : vector<1xf32> to vector<1x1xf32>
    %reduce_sum3A_146 = vector.extract %reduce_sum3A_145[0, 0] : f32 from vector<1x1xf32>
    %add3A_147 = vector.broadcast %reduce_sum3A_146 : f32 to vector<1x1xf32>
    %add3A_148 = arith.addf %broadcast_in_dim3A_141, %add3A_147 : vector<1x1xf32>
    %slice3A_149 = vector.extract_strided_slice %dot_general3A_29 {offsets = [0, 0], sizes = [256, 1024], strides = [1, 1]} : vector<256x2048xf32> to vector<256x1024xf32>
    %slice3A_150 = vector.extract_strided_slice %dot_general3A_29 {offsets = [0, 1024], sizes = [256, 1024], strides = [1, 1]} : vector<256x2048xf32> to vector<256x1024xf32>
    %add3A_151 = vector.broadcast %get3A_3 : vector<1x1024xf32> to vector<256x1024xf32>
    %add3A_152 = arith.addf %add3A_151, %slice3A_150 : vector<256x1024xf32>
    %iota3A_153 = tpu.iota {dimensions = array<i32: 1>} : vector<256x1024xi32>
    %bitcast_convert_type3A_154 = tpu.bitcast %add3A_152 : vector<256x1024xf32> -> vector<256x1024xi32>
    %and3A_155 = arith.constant -1024 : i32
    %and3A_156 = vector.broadcast %and3A_155 : i32 to vector<256x1024xi32>
    %and3A_157 = arith.andi %bitcast_convert_type3A_154, %and3A_156 : vector<256x1024xi32>
    %or3A_158 = arith.ori %and3A_157, %iota3A_153 : vector<256x1024xi32>
    %reduce_min3A_159 = arith.constant dense<2147483647> : vector<256xi32>
    %reduce_min3A_160 = vector.multi_reduction <minsi>, %or3A_158, %reduce_min3A_159 [1] : vector<256x1024xi32> to vector<256xi32>
    %get3A_161 = arith.constant 512 : index
    %get3A_162 = vector.load %arg4[%get3A_161] : memref<1024xi32, #tpu.memory_space<vmem>>, vector<256xi32>
    %mul3A_163 = arith.constant 1024 : i32
    %mul3A_164 = arith.muli %arg0, %mul3A_163 : i32
    %add3A_165 = arith.constant 512 : i32
    %add3A_166 = arith.addi %mul3A_164, %add3A_165 : i32
    %iota3A_167 = tpu.iota {dimensions = array<i32: 1>} : vector<1x256xi32>
    %iota3A_168 = vector.shape_cast %iota3A_167 : vector<1x256xi32> to vector<256xi32>
    %add3A_169 = vector.broadcast %add3A_166 : i32 to vector<256xi32>
    %add3A_170 = arith.addi %add3A_169, %iota3A_168 : vector<256xi32>
    %and3A_171 = arith.constant 1023 : i32
    %and3A_172 = vector.broadcast %and3A_171 : i32 to vector<256xi32>
    %and3A_173 = arith.andi %add3A_170, %and3A_172 : vector<256xi32>
    %add3A_174 = arith.constant 1024 : i32
    %add3A_175 = vector.broadcast %add3A_174 : i32 to vector<256xi32>
    %add3A_176 = arith.addi %add3A_175, %and3A_173 : vector<256xi32>
    %gt3A_177 = arith.constant 0 : i32
    %gt3A_178 = vector.broadcast %gt3A_177 : i32 to vector<256xi32>
    %gt3A_179 = arith.cmpi sgt, %get3A_162, %gt3A_178 : vector<256xi32>
    %and3A_180 = arith.constant 1023 : i32
    %and3A_181 = vector.broadcast %and3A_180 : i32 to vector<256xi32>
    %and3A_182 = arith.andi %reduce_min3A_160, %and3A_181 : vector<256xi32>
    %select_n3A_183 = arith.select %gt3A_179, %and3A_182, %add3A_176 : vector<256xi1>, vector<256xi32>
    %swap3A_184 = arith.constant 512 : index
    %swap3A_185 = vector.load %arg5[%swap3A_184] : memref<1024xi32, #tpu.memory_space<vmem>>, vector<256xi32>
    tpu.vector_store %arg5[%swap3A_184], %select_n3A_183 {strides = array<i32>} : memref<1024xi32, #tpu.memory_space<vmem>>, vector<256xi32>,
    %and3A_186 = arith.constant -1024 : i32
    %and3A_187 = vector.broadcast %and3A_186 : i32 to vector<256xi32>
    %and3A_188 = arith.andi %reduce_min3A_160, %and3A_187 : vector<256xi32>
    %bitcast_convert_type3A_189 = tpu.bitcast %and3A_188 : vector<256xi32> -> vector<256xf32>
    %sub3A_190 = arith.constant 2.000000e+00 : f32
    %sub3A_191 = vector.broadcast %sub3A_190 : f32 to vector<256xf32>
    %sub3A_192 = arith.subf %bitcast_convert_type3A_189, %sub3A_191 : vector<256xf32>
    %mul3A_193 = arith.mulf %slice3A_149, %slice3A_149 : vector<256x1024xf32>
    %broadcast_in_dim3A_194 = arith.constant 1.000000e+00 : f32
    %broadcast_in_dim3A_195 = vector.broadcast %broadcast_in_dim3A_194 : f32 to vector<1x1024xf32>
    %dot_general3A_196 = arith.constant dense<0.000000e+00> : vector<256x1xf32>
    %dot_general3A_197 = tpu.matmul %mul3A_193, %broadcast_in_dim3A_195, %dot_general3A_196 {dimension_numbers = #tpu.dot_dimension_numbers<[1], [1], [0], [0], [0, 0, 1, 0], [], []>, transpose_lhs_hint = false} : vector<256x1024xf32>, vector<1x1024xf32>, vector<256x1xf32> -> vector<256x1xf32>
    %reduce_sum3A_198 = vector.shape_cast %dot_general3A_197 : vector<256x1xf32> to vector<1x256x1xf32>
    %reduce_sum3A_199 = arith.constant dense<0.000000e+00> : vector<1xf32>
    %reduce_sum3A_200 = vector.multi_reduction <add>, %reduce_sum3A_198, %reduce_sum3A_199 [1, 2] : vector<1x256x1xf32> to vector<1xf32>
    %reduce_sum3A_201 = vector.shape_cast %reduce_sum3A_200 : vector<1xf32> to vector<1x1x1xf32>
    %reduce_sum3A_202 = vector.extract %reduce_sum3A_201[0, 0, 0] : f32 from vector<1x1x1xf32>
    %broadcast_in_dim3A_203 = vector.broadcast %reduce_sum3A_202 : f32 to vector<1x1xf32>
    %reduce_sum3A_204 = vector.shape_cast %sub3A_192 : vector<256xf32> to vector<1x256xf32>
    %reduce_sum3A_205 = arith.constant dense<0.000000e+00> : vector<1xf32>
    %reduce_sum3A_206 = vector.multi_reduction <add>, %reduce_sum3A_204, %reduce_sum3A_205 [1] : vector<1x256xf32> to vector<1xf32>
    %reduce_sum3A_207 = vector.shape_cast %reduce_sum3A_206 : vector<1xf32> to vector<1x1xf32>
    %reduce_sum3A_208 = vector.extract %reduce_sum3A_207[0, 0] : f32 from vector<1x1xf32>
    %add3A_209 = vector.broadcast %reduce_sum3A_208 : f32 to vector<1x1xf32>
    %add3A_210 = arith.addf %broadcast_in_dim3A_203, %add3A_209 : vector<1x1xf32>
    %slice3A_211 = vector.extract_strided_slice %dot_general3A_38 {offsets = [0, 0], sizes = [256, 1024], strides = [1, 1]} : vector<256x2048xf32> to vector<256x1024xf32>
    %slice3A_212 = vector.extract_strided_slice %dot_general3A_38 {offsets = [0, 1024], sizes = [256, 1024], strides = [1, 1]} : vector<256x2048xf32> to vector<256x1024xf32>
    %add3A_213 = vector.broadcast %get3A_3 : vector<1x1024xf32> to vector<256x1024xf32>
    %add3A_214 = arith.addf %add3A_213, %slice3A_212 : vector<256x1024xf32>
    %iota3A_215 = tpu.iota {dimensions = array<i32: 1>} : vector<256x1024xi32>
    %bitcast_convert_type3A_216 = tpu.bitcast %add3A_214 : vector<256x1024xf32> -> vector<256x1024xi32>
    %and3A_217 = arith.constant -1024 : i32
    %and3A_218 = vector.broadcast %and3A_217 : i32 to vector<256x1024xi32>
    %and3A_219 = arith.andi %bitcast_convert_type3A_216, %and3A_218 : vector<256x1024xi32>
    %or3A_220 = arith.ori %and3A_219, %iota3A_215 : vector<256x1024xi32>
    %reduce_min3A_221 = arith.constant dense<2147483647> : vector<256xi32>
    %reduce_min3A_222 = vector.multi_reduction <minsi>, %or3A_220, %reduce_min3A_221 [1] : vector<256x1024xi32> to vector<256xi32>
    %get3A_223 = arith.constant 768 : index
    %get3A_224 = vector.load %arg4[%get3A_223] : memref<1024xi32, #tpu.memory_space<vmem>>, vector<256xi32>
    %mul3A_225 = arith.constant 1024 : i32
    %mul3A_226 = arith.muli %arg0, %mul3A_225 : i32
    %add3A_227 = arith.constant 768 : i32
    %add3A_228 = arith.addi %mul3A_226, %add3A_227 : i32
    %iota3A_229 = tpu.iota {dimensions = array<i32: 1>} : vector<1x256xi32>
    %iota3A_230 = vector.shape_cast %iota3A_229 : vector<1x256xi32> to vector<256xi32>
    %add3A_231 = vector.broadcast %add3A_228 : i32 to vector<256xi32>
    %add3A_232 = arith.addi %add3A_231, %iota3A_230 : vector<256xi32>
    %and3A_233 = arith.constant 1023 : i32
    %and3A_234 = vector.broadcast %and3A_233 : i32 to vector<256xi32>
    %and3A_235 = arith.andi %add3A_232, %and3A_234 : vector<256xi32>
    %add3A_236 = arith.constant 1024 : i32
    %add3A_237 = vector.broadcast %add3A_236 : i32 to vector<256xi32>
    %add3A_238 = arith.addi %add3A_237, %and3A_235 : vector<256xi32>
    %gt3A_239 = arith.constant 0 : i32
    %gt3A_240 = vector.broadcast %gt3A_239 : i32 to vector<256xi32>
    %gt3A_241 = arith.cmpi sgt, %get3A_224, %gt3A_240 : vector<256xi32>
    %and3A_242 = arith.constant 1023 : i32
    %and3A_243 = vector.broadcast %and3A_242 : i32 to vector<256xi32>
    %and3A_244 = arith.andi %reduce_min3A_222, %and3A_243 : vector<256xi32>
    %select_n3A_245 = arith.select %gt3A_241, %and3A_244, %add3A_238 : vector<256xi1>, vector<256xi32>
    %swap3A_246 = arith.constant 768 : index
    %swap3A_247 = vector.load %arg5[%swap3A_246] : memref<1024xi32, #tpu.memory_space<vmem>>, vector<256xi32>
    tpu.vector_store %arg5[%swap3A_246], %select_n3A_245 {strides = array<i32>} : memref<1024xi32, #tpu.memory_space<vmem>>, vector<256xi32>,
    %and3A_248 = arith.constant -1024 : i32
    %and3A_249 = vector.broadcast %and3A_248 : i32 to vector<256xi32>
    %and3A_250 = arith.andi %reduce_min3A_222, %and3A_249 : vector<256xi32>
    %bitcast_convert_type3A_251 = tpu.bitcast %and3A_250 : vector<256xi32> -> vector<256xf32>
    %sub3A_252 = arith.constant 2.000000e+00 : f32
    %sub3A_253 = vector.broadcast %sub3A_252 : f32 to vector<256xf32>
    %sub3A_254 = arith.subf %bitcast_convert_type3A_251, %sub3A_253 : vector<256xf32>
    %mul3A_255 = arith.mulf %slice3A_211, %slice3A_211 : vector<256x1024xf32>
    %broadcast_in_dim3A_256 = arith.constant 1.000000e+00 : f32
    %broadcast_in_dim3A_257 = vector.broadcast %broadcast_in_dim3A_256 : f32 to vector<1x1024xf32>
    %dot_general3A_258 = arith.constant dense<0.000000e+00> : vector<256x1xf32>
    %dot_general3A_259 = tpu.matmul %mul3A_255, %broadcast_in_dim3A_257, %dot_general3A_258 {dimension_numbers = #tpu.dot_dimension_numbers<[1], [1], [0], [0], [0, 0, 1, 0], [], []>, transpose_lhs_hint = false} : vector<256x1024xf32>, vector<1x1024xf32>, vector<256x1xf32> -> vector<256x1xf32>
    %reduce_sum3A_260 = vector.shape_cast %dot_general3A_259 : vector<256x1xf32> to vector<1x256x1xf32>
    %reduce_sum3A_261 = arith.constant dense<0.000000e+00> : vector<1xf32>
    %reduce_sum3A_262 = vector.multi_reduction <add>, %reduce_sum3A_260, %reduce_sum3A_261 [1, 2] : vector<1x256x1xf32> to vector<1xf32>
    %reduce_sum3A_263 = vector.shape_cast %reduce_sum3A_262 : vector<1xf32> to vector<1x1x1xf32>
    %reduce_sum3A_264 = vector.extract %reduce_sum3A_263[0, 0, 0] : f32 from vector<1x1x1xf32>
    %broadcast_in_dim3A_265 = vector.broadcast %reduce_sum3A_264 : f32 to vector<1x1xf32>
    %reduce_sum3A_266 = vector.shape_cast %sub3A_254 : vector<256xf32> to vector<1x256xf32>
    %reduce_sum3A_267 = arith.constant dense<0.000000e+00> : vector<1xf32>
    %reduce_sum3A_268 = vector.multi_reduction <add>, %reduce_sum3A_266, %reduce_sum3A_267 [1] : vector<1x256xf32> to vector<1xf32>
    %reduce_sum3A_269 = vector.shape_cast %reduce_sum3A_268 : vector<1xf32> to vector<1x1xf32>
    %reduce_sum3A_270 = vector.extract %reduce_sum3A_269[0, 0] : f32 from vector<1x1xf32>
    %add3A_271 = vector.broadcast %reduce_sum3A_270 : f32 to vector<1x1xf32>
    %add3A_272 = arith.addf %broadcast_in_dim3A_265, %add3A_271 : vector<1x1xf32>
    %add3A_273 = arith.addf %add3A_86, %add3A_148 : vector<1x1xf32>
    %add3A_274 = arith.addf %add3A_273, %add3A_210 : vector<1x1xf32>
    %add3A_275 = arith.addf %add3A_274, %add3A_272 : vector<1x1xf32>
    %eq3A_276 = arith.constant 0 : i32
    %eq3A_277 = arith.cmpi eq, %arg0, %eq3A_276 : i32
    %convert_element_type3A_278 = arith.extui %eq3A_277 : i1 to i32
    %cond3A_279 = arith.constant 0 : i32
    %cond3A_280 = arith.cmpi ne, %convert_element_type3A_278, %cond3A_279 : i32
    scf.if %cond3A_280 {
      %swap3A_285 = arith.constant 0 : index
      %swap3A_286 = arith.constant 0 : index
      %swap3A_287 = vector.load %arg6[%swap3A_285, %swap3A_286] : memref<1x1xf32, #tpu.memory_space<vmem>>, vector<1x1xf32>
      tpu.vector_store %arg6[%swap3A_285, %swap3A_286], %add3A_275 {strides = array<i32>} : memref<1x1xf32, #tpu.memory_space<vmem>>, vector<1x1xf32>,
    } else {
    }
    %ne3A = arith.constant 0 : i32
    %ne3A_281 = arith.cmpi ne, %arg0, %ne3A : i32
    %convert_element_type3A_282 = arith.extui %ne3A_281 : i1 to i32
    %cond3A_283 = arith.constant 0 : i32
    %cond3A_284 = arith.cmpi ne, %convert_element_type3A_282, %cond3A_283 : i32
    scf.if %cond3A_284 {
      %get3A_285 = arith.constant 0 : index
      %get3A_286 = arith.constant 0 : index
      %get3A_287 = vector.load %arg6[%get3A_285, %get3A_286] : memref<1x1xf32, #tpu.memory_space<vmem>>, vector<1x1xf32>
      %add3A_288 = arith.addf %get3A_287, %add3A_275 : vector<1x1xf32>
      %swap3A_289 = arith.constant 0 : index
      %swap3A_290 = arith.constant 0 : index
      %swap3A_291 = vector.load %arg6[%swap3A_289, %swap3A_290] : memref<1x1xf32, #tpu.memory_space<vmem>>, vector<1x1xf32>
      tpu.vector_store %arg6[%swap3A_289, %swap3A_290], %add3A_288 {strides = array<i32>} : memref<1x1xf32, #tpu.memory_space<vmem>>, vector<1x1xf32>,
    } else {
    }
    return
  }
  func.func @transform_0(%arg0: i32) -> (i32, i32) {
    %add3A = arith.constant 4 : i32
    %add3A_0 = arith.addi %arg0, %add3A : i32
    %c0_i32 = arith.constant 0 : i32
    %c0_i32_1 = arith.constant 0 : i32
    return %add3A_0, %c0_i32 : i32, i32
  }
  func.func @transform_1(%arg0: i32) -> (i32, i32) {
    %c0_i32 = arith.constant 0 : i32
    %c0_i32_0 = arith.constant 0 : i32
    %c0_i32_1 = arith.constant 0 : i32
    return %c0_i32, %c0_i32_0 : i32, i32
  }
  func.func @transform_2(%arg0: i32) -> (i32, i32) {
    %c0_i32 = arith.constant 0 : i32
    %c0_i32_0 = arith.constant 0 : i32
    %c0_i32_1 = arith.constant 0 : i32
    return %c0_i32, %c0_i32_0 : i32, i32
  }
  func.func @transform_3(%arg0: i32) -> i32 {
    %add3A = arith.constant 4 : i32
    %add3A_0 = arith.addi %arg0, %add3A : i32
    %c0_i32 = arith.constant 0 : i32
    return %add3A_0 : i32
  }
  func.func @transform_4(%arg0: i32) -> i32 {
    %c0_i32 = arith.constant 0 : i32
    return %arg0 : i32
  }
  func.func @transform_5(%arg0: i32) -> (i32, i32) {
    %c0_i32 = arith.constant 0 : i32
    %c0_i32_0 = arith.constant 0 : i32
    %c0_i32_1 = arith.constant 0 : i32
    return %c0_i32, %c0_i32_0 : i32, i32
  }
}

module attributes {stable_mosaic.version = 14 : i64} {
  func.func @_s3_body(%arg0: i32, %arg1: memref<1024x512xi32, #tpu.memory_space<vmem>>, %arg2: memref<1024x1024xf32, #tpu.memory_space<vmem>>, %arg3: memref<1x1024xf32, #tpu.memory_space<vmem>>, %arg4: memref<1x1024xf32, #tpu.memory_space<vmem>>, %arg5: memref<1024x1024xf32, #tpu.memory_space<vmem>>) attributes {dimension_semantics = [#tpu.dimension_semantics<arbitrary>], iteration_bounds = array<i64: 4>, scalar_prefetch = 0 : i64, scratch_operands = 0 : i64, tpu.core_type = #tpu.core_type<tc>, window_params = [{transform_indices = @transform_0, window_bounds = array<i64: 1024, 512>}, {transform_indices = @transform_1, window_bounds = array<i64: 1024, 1024>}, {pipeline_mode = #tpu.pipeline_mode<synchronous>, transform_indices = @transform_2, window_bounds = array<i64: 1, 1024>}, {pipeline_mode = #tpu.pipeline_mode<synchronous>, transform_indices = @transform_3, window_bounds = array<i64: 1, 1024>}, {transform_indices = @transform_4, window_bounds = array<i64: 1024, 1024>}]} {
    %get3A = arith.constant 0 : index
    %get3A_0 = arith.constant 0 : index
    %get3A_1 = vector.load %arg1[%get3A, %get3A_0] : memref<1024x512xi32, #tpu.memory_space<vmem>>, vector<1024x512xi32>
    %bitcast_convert_type3A = tpu.bitcast %get3A_1 : vector<1024x512xi32> -> vector<1024x512xi32>
    %shift_left3A = arith.constant 16 : i32
    %shift_left3A_2 = vector.broadcast %shift_left3A : i32 to vector<1024x512xi32>
    %shift_left3A_3 = arith.shli %bitcast_convert_type3A, %shift_left3A_2 : vector<1024x512xi32>
    %bitcast_convert_type3A_4 = tpu.bitcast %shift_left3A_3 : vector<1024x512xi32> -> vector<1024x512xf32>
    %and3A = arith.constant -65536 : i32
    %and3A_5 = vector.broadcast %and3A : i32 to vector<1024x512xi32>
    %and3A_6 = arith.andi %bitcast_convert_type3A, %and3A_5 : vector<1024x512xi32>
    %bitcast_convert_type3A_7 = tpu.bitcast %and3A_6 : vector<1024x512xi32> -> vector<1024x512xf32>
    %get3A_8 = arith.constant 0 : index
    %get3A_9 = arith.constant 0 : index
    %get3A_10 = vector.load %arg2[%get3A_8, %get3A_9] : memref<1024x1024xf32, #tpu.memory_space<vmem>>, vector<1024x512xf32>
    %add3A = arith.addf %get3A_10, %bitcast_convert_type3A_4 : vector<1024x512xf32>
    %get3A_11 = arith.constant 0 : index
    %get3A_12 = arith.constant 512 : index
    %get3A_13 = vector.load %arg2[%get3A_11, %get3A_12] : memref<1024x1024xf32, #tpu.memory_space<vmem>>, vector<1024x512xf32>
    %add3A_14 = arith.addf %get3A_13, %bitcast_convert_type3A_7 : vector<1024x512xf32>
    %reduce_sum3A = arith.constant dense<0.000000e+00> : vector<1024xf32>
    %reduce_sum3A_15 = vector.multi_reduction <add>, %add3A, %reduce_sum3A [1] : vector<1024x512xf32> to vector<1024xf32>
    %broadcast_in_dim3A = vector.shape_cast %reduce_sum3A_15 : vector<1024xf32> to vector<1024x1xf32>
    %reduce_sum3A_16 = arith.constant dense<0.000000e+00> : vector<1024xf32>
    %reduce_sum3A_17 = vector.multi_reduction <add>, %add3A_14, %reduce_sum3A_16 [1] : vector<1024x512xf32> to vector<1024xf32>
    %broadcast_in_dim3A_18 = vector.shape_cast %reduce_sum3A_17 : vector<1024xf32> to vector<1024x1xf32>
    %add3A_19 = arith.addf %broadcast_in_dim3A, %broadcast_in_dim3A_18 : vector<1024x1xf32>
    %mul3A = arith.constant 9.765625E-4 : f32
    %mul3A_20 = vector.broadcast %mul3A : f32 to vector<1024x1xf32>
    %mul3A_21 = arith.mulf %add3A_19, %mul3A_20 : vector<1024x1xf32>
    %sub3A = vector.broadcast %mul3A_21 : vector<1024x1xf32> to vector<1024x512xf32>
    %sub3A_22 = arith.subf %add3A, %sub3A : vector<1024x512xf32>
    %sub3A_23 = vector.broadcast %mul3A_21 : vector<1024x1xf32> to vector<1024x512xf32>
    %sub3A_24 = arith.subf %add3A_14, %sub3A_23 : vector<1024x512xf32>
    %mul3A_25 = arith.mulf %sub3A_22, %sub3A_22 : vector<1024x512xf32>
    %reduce_sum3A_26 = arith.constant dense<0.000000e+00> : vector<1024xf32>
    %reduce_sum3A_27 = vector.multi_reduction <add>, %mul3A_25, %reduce_sum3A_26 [1] : vector<1024x512xf32> to vector<1024xf32>
    %broadcast_in_dim3A_28 = vector.shape_cast %reduce_sum3A_27 : vector<1024xf32> to vector<1024x1xf32>
    %mul3A_29 = arith.mulf %sub3A_24, %sub3A_24 : vector<1024x512xf32>
    %reduce_sum3A_30 = arith.constant dense<0.000000e+00> : vector<1024xf32>
    %reduce_sum3A_31 = vector.multi_reduction <add>, %mul3A_29, %reduce_sum3A_30 [1] : vector<1024x512xf32> to vector<1024xf32>
    %broadcast_in_dim3A_32 = vector.shape_cast %reduce_sum3A_31 : vector<1024xf32> to vector<1024x1xf32>
    %add3A_33 = arith.addf %broadcast_in_dim3A_28, %broadcast_in_dim3A_32 : vector<1024x1xf32>
    %mul3A_34 = arith.constant 9.765625E-4 : f32
    %mul3A_35 = vector.broadcast %mul3A_34 : f32 to vector<1024x1xf32>
    %mul3A_36 = arith.mulf %add3A_33, %mul3A_35 : vector<1024x1xf32>
    %add3A_37 = arith.constant 9.99999974E-6 : f32
    %add3A_38 = vector.broadcast %add3A_37 : f32 to vector<1024x1xf32>
    %add3A_39 = arith.addf %mul3A_36, %add3A_38 : vector<1024x1xf32>
    %rsqrt3A = math.rsqrt %add3A_39 : vector<1024x1xf32>
    %mul3A_40 = vector.broadcast %rsqrt3A : vector<1024x1xf32> to vector<1024x512xf32>
    %mul3A_41 = arith.mulf %sub3A_22, %mul3A_40 : vector<1024x512xf32>
    %get3A_42 = arith.constant 0 : index
    %get3A_43 = arith.constant 0 : index
    %get3A_44 = vector.load %arg3[%get3A_42, %get3A_43] : memref<1x1024xf32, #tpu.memory_space<vmem>>, vector<1x512xf32>
    %mul3A_45 = vector.broadcast %get3A_44 : vector<1x512xf32> to vector<1024x512xf32>
    %mul3A_46 = arith.mulf %mul3A_41, %mul3A_45 : vector<1024x512xf32>
    %get3A_47 = arith.constant 0 : index
    %get3A_48 = arith.constant 0 : index
    %get3A_49 = vector.load %arg4[%get3A_47, %get3A_48] : memref<1x1024xf32, #tpu.memory_space<vmem>>, vector<1x512xf32>
    %add3A_50 = vector.broadcast %get3A_49 : vector<1x512xf32> to vector<1024x512xf32>
    %add3A_51 = arith.addf %mul3A_46, %add3A_50 : vector<1024x512xf32>
    %swap3A = arith.constant 0 : index
    %swap3A_52 = arith.constant 0 : index
    %swap3A_53 = vector.load %arg5[%swap3A, %swap3A_52] : memref<1024x1024xf32, #tpu.memory_space<vmem>>, vector<1024x512xf32>
    tpu.vector_store %arg5[%swap3A, %swap3A_52], %add3A_51 {strides = array<i32>} : memref<1024x1024xf32, #tpu.memory_space<vmem>>, vector<1024x512xf32>,
    %mul3A_54 = vector.broadcast %rsqrt3A : vector<1024x1xf32> to vector<1024x512xf32>
    %mul3A_55 = arith.mulf %sub3A_24, %mul3A_54 : vector<1024x512xf32>
    %get3A_56 = arith.constant 0 : index
    %get3A_57 = arith.constant 512 : index
    %get3A_58 = vector.load %arg3[%get3A_56, %get3A_57] : memref<1x1024xf32, #tpu.memory_space<vmem>>, vector<1x512xf32>
    %mul3A_59 = vector.broadcast %get3A_58 : vector<1x512xf32> to vector<1024x512xf32>
    %mul3A_60 = arith.mulf %mul3A_55, %mul3A_59 : vector<1024x512xf32>
    %get3A_61 = arith.constant 0 : index
    %get3A_62 = arith.constant 512 : index
    %get3A_63 = vector.load %arg4[%get3A_61, %get3A_62] : memref<1x1024xf32, #tpu.memory_space<vmem>>, vector<1x512xf32>
    %add3A_64 = vector.broadcast %get3A_63 : vector<1x512xf32> to vector<1024x512xf32>
    %add3A_65 = arith.addf %mul3A_60, %add3A_64 : vector<1024x512xf32>
    %swap3A_66 = arith.constant 0 : index
    %swap3A_67 = arith.constant 512 : index
    %swap3A_68 = vector.load %arg5[%swap3A_66, %swap3A_67] : memref<1024x1024xf32, #tpu.memory_space<vmem>>, vector<1024x512xf32>
    tpu.vector_store %arg5[%swap3A_66, %swap3A_67], %add3A_65 {strides = array<i32>} : memref<1024x1024xf32, #tpu.memory_space<vmem>>, vector<1024x512xf32>,
    return
  }
  func.func @transform_0(%arg0: i32) -> (i32, i32) {
    %c0_i32 = arith.constant 0 : i32
    %c0_i32_0 = arith.constant 0 : i32
    return %arg0, %c0_i32 : i32, i32
  }
  func.func @transform_1(%arg0: i32) -> (i32, i32) {
    %c0_i32 = arith.constant 0 : i32
    %c0_i32_0 = arith.constant 0 : i32
    return %arg0, %c0_i32 : i32, i32
  }
  func.func @transform_2(%arg0: i32) -> (i32, i32) {
    %c0_i32 = arith.constant 0 : i32
    %c0_i32_0 = arith.constant 0 : i32
    %c0_i32_1 = arith.constant 0 : i32
    return %c0_i32, %c0_i32_0 : i32, i32
  }
  func.func @transform_3(%arg0: i32) -> (i32, i32) {
    %c0_i32 = arith.constant 0 : i32
    %c0_i32_0 = arith.constant 0 : i32
    %c0_i32_1 = arith.constant 0 : i32
    return %c0_i32, %c0_i32_0 : i32, i32
  }
  func.func @transform_4(%arg0: i32) -> (i32, i32) {
    %c0_i32 = arith.constant 0 : i32
    %c0_i32_0 = arith.constant 0 : i32
    return %arg0, %c0_i32 : i32, i32
  }
}

</mosaic_0001>

<sc_bundles>
// kernel: kernel.11.cloned.1.call-start
scs
__scs_entry_jumppad:
0x0: {  	(pc) =	sbr.rel $0x88, $3  }
0x1: {  	(tag) =	ssettag $0x0;
	lr =	simm.s32 $0x1  }
0x2: {  	[smem:$0x3F9A] =	sst lr;
	_ =	strace $0xD0000000  }
0x3: {  	_ = 	snop  }
0x4: {  	_ = 	snop  }
0x5: {  	_ = 	snop  }
0x6: {  	_ = 	snop  }
0x7: {  	_ = 	snop  }
__scs_overlays_trampoline_lowered:
0x8: {  	[smem:$0x3FA9] =	sst s0  }
0x9: {  	[smem:$0x3FAA] =	sst s1  }
0xa: {  	[smem:$0x3FAB] =	sst s2  }
0xb: {  	[smem:$0x3FAC] =	sst s3  }
0xc: {  	[smem:$0x3FAD] =	sst s4  }
0xd: {  	[smem:$0x3FAE] =	sst s5  }
0xe: {  	[smem:$0x3FAF] =	sst s6  }
0xf: {  	[smem:$0x3FB0] =	sst s7  }
0x10: {  	[smem:$0x3FB1] =	sst s8  }
0x11: {  	[smem:$0x3FB2] =	sst s9;
	s0 =	simm.s32 @!p0 $0x0  }
0x12: {  	s1 =	sld [smem:$0x3F98];
	s0 =	simm.s32 @p0 $0x1  }
0x13: {  	[smem:$0x3FB3] =	sst s0;
	s0 =	simm.s32 @!p1 $0x0  }
0x14: {  	s2 =	sld [smem:$0x3F97];
	s0 =	simm.s32 @p1 $0x1  }
0x15: {  	[smem:$0x3FB4] =	sst s0;
	s0 =	simm.s32 @!p2 $0x0  }
0x16: {  	s3 =	sld [smem:$0x3FDB];
	s0 =	simm.s32 @p2 $0x1  }
0x17: {  	s4 =	simm.s32 $0x1BF5;
	[smem:$0x3FB6] =	sst s0  }
0x18: {  	s0 =	sld [smem:$0x3F99];
	_ =	swait.ge [sflag:s4], $0x0  }
0x19: {  	s7 =	sld [smem:$0x3F9A]  }
0x1a: {  	s8 =	sadd.s32 $0xFFFFE003, lr  }
0x1b: {  	s9 =	sadd.s32 $0xFFFFFEF7, lr;
	s5 =	simm.s32 $0xFFFFFFFF;
	p2 =	slt.u32 s8, $0xFFFFF086  }
0x1c: {  	p1 =	slt.u32 s9, $0xF7A;
	s5 =	simm.s32 @!p2 $0x0  }
0x1d: {  	s5 =	simm.s32 @p1 $0x1;
	p0 =	seq.s32 s7, s2  }
0x1e: {  	s7 =	smul.u32 @!p0 $0xF7A, s2;
	p2 =	seq.s32 @!p0 s5, $0x0  }
0x1f: {  	s9 =	smul.u32 $0xF7A, s1;
	s8 =	simm.s32 @!p0 $0x1BF5;
	p2 =	por !p2, p0  }
0x20: {  	[sflag:s8] =	ssyncset.s32 @!p0 $0xFFFFF086;
	s6 =	sadd.s32 @!p0 s3, s7;
	s7 =	simm.s32 @!p0 $0x108  }
0x21: {  	s3 =	sadd.s32 s3, s9;
	s6 =	sadd.s32 @!p0 $0x88, s6;
	s7 =	simm.s32 @p2 $0x1082  }
0x22: {  	[simem:s7], [sflag:s8] =	dma.local @!p0 [hbm:s6], $0xF7A  }
0x23: {  	s9 =	sor.u32 $0xD0000000, s2;
	s6 =	simm.s32 $0x108;
	_ =	swait.ge @!p0 [sflag:s8], $0x0  }
0x24: {  	s3 =	sadd.s32 $0x88, s3;
	s6 =	simm.s32 @!p1 $0x1082;
	[sflag:s4] =	ssyncset.s32 $0xFFFFF086  }
0x25: {  	[simem:s6], [sflag:s4] =	dma.local [hbm:s3], $0xF7A  }
0x26: {  	[smem:$0x3F9A] =	sst s1;
	(tag) =	ssettag s2;
	_ =	strace s9  }
0x27: {  	s1 =	sld [smem:$0x3FAA]  }
0x28: {  	s2 =	sld [smem:$0x3FAB]  }
0x29: {  	s4 =	sld [smem:$0x3FAD]  }
0x2a: {  	p0 =	seq.s32 s5, $0x0;
	s5 =	sld [smem:$0x3FAE]  }
0x2b: {  	s6 =	sld [smem:$0x3FAF]  }
0x2c: {  	s7 =	sld [smem:$0x3FB0]  }
0x2d: {  	s3 =	simm.s32 $0x108;
	s8 =	sld [smem:$0x3FB1]  }
0x2e: {  	s3 =	simm.s32 @!p0 $0x1082;
	s9 =	sld [smem:$0x3FB2]  }
0x2f: {  	lr =	sadd.s32 s0, s3;
	s0 =	sld [smem:$0x3FA9]  }
0x30: {  	s3 =	sld [smem:$0x3FAC]  }
0x31: {  	[smem:$0x3FB5] =	sst s10  }
0x32: {  	s10 =	sld [smem:$0x3FB3];
	_ =	sdelay $0x3  }
0x33: {  	p0 =	seq.s32 s10, $0x1;
	s10 =	sld [smem:$0x3FB5];
	_ =	sdelay $0x3  }
0x34: {  	[smem:$0x3FB5] =	sst s10  }
0x35: {  	s10 =	sld [smem:$0x3FB4];
	_ =	sdelay $0x3  }
0x36: {  	p1 =	seq.s32 s10, $0x1;
	s10 =	sld [smem:$0x3FB5];
	_ =	sdelay $0x3  }
0x37: {  	[smem:$0x3FB5] =	sst s10  }
0x38: {  	s10 =	sld [smem:$0x3FB6]  }
0x39: {  	_ = 	snop;
	(pc) =	sbr.ind lr, $3  }
0x3a: {  	_ = 	snop  }
0x3b: {  	_ = 	snop  }
0x3c: {  	p2 =	seq.s32 s10, $0x1;
	s10 =	sld [smem:$0x3FB5]  }
0x3d: {  	_ =	shalt  }
0x3e: {  	_ =	shalt  }
0x3f: {  	_ =	shalt  }
0x40: {  	_ =	shalt  }
0x41: {  	_ =	shalt  }
0x42: {  	_ =	shalt  }
0x43: {  	_ =	shalt  }
0x44: {  	_ =	shalt  }
0x45: {  	_ =	shalt  }
0x46: {  	_ =	shalt  }
0x47: {  	_ =	shalt  }
0x48: {  	_ =	shalt  }
0x49: {  	_ =	shalt  }
0x4a: {  	_ =	shalt  }
0x4b: {  	_ =	shalt  }
0x4c: {  	_ =	shalt  }
0x4d: {  	_ =	shalt  }
0x4e: {  	_ =	shalt  }
0x4f: {  	_ =	shalt  }
0x50: {  	_ =	shalt  }
0x51: {  	_ =	shalt  }
0x52: {  	_ =	shalt  }
0x53: {  	_ =	shalt  }
0x54: {  	_ =	shalt  }
0x55: {  	_ =	shalt  }
0x56: {  	_ =	shalt  }
0x57: {  	_ =	shalt  }
0x58: {  	_ =	shalt  }
0x59: {  	_ =	shalt  }
0x5a: {  	_ =	shalt  }
0x5b: {  	_ =	shalt  }
0x5c: {  	_ =	shalt  }
0x5d: {  	_ =	shalt  }
0x5e: {  	_ =	shalt  }
0x5f: {  	_ =	shalt  }
0x60: {  	_ =	shalt  }
0x61: {  	_ =	shalt  }
0x62: {  	_ =	shalt  }
0x63: {  	_ =	shalt  }
0x64: {  	_ =	shalt  }
0x65: {  	_ =	shalt  }
0x66: {  	_ =	shalt  }
0x67: {  	_ =	shalt  }
0x68: {  	_ =	shalt  }
0x69: {  	_ =	shalt  }
0x6a: {  	_ =	shalt  }
0x6b: {  	_ =	shalt  }
0x6c: {  	_ =	shalt  }
0x6d: {  	_ =	shalt  }
0x6e: {  	_ =	shalt  }
0x6f: {  	_ =	shalt  }
0x70: {  	_ =	shalt  }
0x71: {  	_ =	shalt  }
0x72: {  	_ =	shalt  }
0x73: {  	_ =	shalt  }
0x74: {  	_ =	shalt  }
0x75: {  	_ =	shalt  }
0x76: {  	_ =	shalt  }
0x77: {  	_ =	shalt  }
0x78: {  	_ =	shalt  }
0x79: {  	_ =	shalt  }
0x7a: {  	_ =	shalt  }
0x7b: {  	_ =	shalt  }
0x7c: {  	_ =	shalt  }
0x7d: {  	_ =	shalt  }
0x7e: {  	_ =	shalt  }
0x7f: {  	_ =	shalt  }
0x80: {  	_ =	shalt  }
0x81: {  	_ =	shalt  }
0x82: {  	_ =	shalt  }
0x83: {  	_ =	shalt  }
0x84: {  	_ =	shalt  }
0x85: {  	_ =	shalt  }
0x86: {  	_ =	shalt  }
0x87: {  	_ =	shalt  }
.Lfunc_end0:
.L_simem_size_0:
called_computation.1_lowered:
.L_overlay_start_0:
0x88: {  	s2 =	sld [smem:$0x3FD9]  }
0x89: {  	s3 =	sld [smem:$0x3FFE];
	_ =	sdelay $0x1  }
0x8a: {  	s1 =	srdreg.scid  }
0x8b: {  	s0 =	sand.u32 $0x1, s1  }
0x8c: {  	s17 =	sshll.u32 s0, $0xA;
	s2 =	sadd.s32 s3, s2  }
0x8d: {  	s2 =	sadd.s32 s2, s17  }
0x8e: {  	[smem:$0x3FC1] =	sst s2  }
0x8f: {  	_ = 	snop  }
0x90: {  	(tm) =	ssettm $0x1  }
0x91: {  	s18 =	sld [smem:$0x3FFB];
	_ =	sdelay $0x3  }
0x92: {  	_ =	strace s18  }
0x93: {  	s2 =	sld [smem:$0x3FFC];
	_ =	sdelay $0x3  }
0x94: {  	_ =	strace s2  }
0x95: {  	s2 =	sld [smem:$0x3FFD];
	_ =	sdelay $0x3  }
0x96: {  	_ =	strace s2  }
0x97: {  	_ =	strace $0x8FFFFFFF  }
0x98: {  	s19 =	sld [smem:$0x3FDB];
	_ =	sdelay $0x1  }
0x99: {  	s20 =	simm.s32 $_scs_section_size  }
0x9a: {  	s4 =	simm.s32 $_size__tile_overlayer_lowered;
	s5 =	simm.s32 $_tile_overlayer_lowered  }
0x9b: {  	s6 =	simm.s32 $0x1BFF;
	s21 =	sshll.u32 s5, $0x1;
	s3 =	sadd.s32 s20, s19  }
0x9c: {  	s22 =	simm.s32 $0x0;
	s4 =	sshll.u32 s4, $0x1;
	s5 =	sadd.s32 s21, s3  }
0x9d: {  	[timem:s22], [sflag:s6] =	dma.local [hbm:s5], s4  }
0x9e: {  	_ =	swait.ge [sflag:s6], s4  }
0x9f: {  	s4 =	ssub.s32 $0x0, s4;
	[sflag:s6] =	ssyncset.done $0x0  }
0xa0: {  	[sflag:s6] =	ssyncadd.s32 s4;
	_ =	sdelay $0x1  }
0xa1: {  	s23 =	simm.s32 $0x1B8B  }
0xa2: {  	_ =	swait.ge [sflag:s23], $0x1  }
0xa3: {  	[sflag:s23] =	ssyncset.done $0x0  }
0xa4: {  	[sflag:s23] =	ssyncadd.s32 $0xFFFFFFFF  }
0xa5: {  	s4 =	sld [smem:$0x0]  }
0xa6: {  	s5 =	sand.u32 $0xFFFFFFFE, s1  }
0xa7: {  	p0 =	sne.s32 s1, s5  }
0xa8: {  	s5 =	sshll.u32 @p0 s5, $0xE  }
0xa9: {  	s5 =	sadd.s32 @p0 $0x11B8D, s5;
	s6 =	sshll.u32 @p0 s4, $0x11  }
0xaa: {  	s5 =	sor.u32 @p0 s6, s5  }
0xab: {  	[sflag:s5] =	ssyncadd.remote.s32 @p0 $0x1;
	_ =	sdelay $0x1  }
0xac: {  	s5 =	simm.s32 @p0 $0x1B8D  }
0xad: {  	_ =	swait.eq @p0 [sflag:s5], $0x1  }
0xae: {  	[sflag:s5] =	ssyncadd.s32 @p0 $0xFFFFFFFF  }
0xaf: {  	s6 =	sshll.u32 @!p0 s1, $0xE  }
0xb0: {  	s6 =	sor.u32 @!p0 $0x4000, s6;
	s5 =	simm.s32 @!p0 $0x1B8D  }
0xb1: {  	s4 =	sshll.u32 @!p0 s4, $0x11;
	s6 =	sadd.s32 @!p0 $0x11B8D, s6;
	_ =	swait.eq @!p0 [sflag:s5], $0x1  }
0xb2: {  	s4 =	sor.u32 @!p0 s4, s6;
	[sflag:s5] =	ssyncadd.s32 @!p0 $0xFFFFFFFF  }
0xb3: {  	s25 =	simm.s32 $0x1B8E;
	s24 =	sld [smem:$0x3FFE];
	[sflag:s4] =	ssyncadd.remote.s32 @!p0 $0x1  }
0xb4: {  	s26 =	simm.s32 $execute0_lowered;
	[smem:$0x3FD2] =	sst s25  }
0xb5: {  	s5 =	sshll.u32 s26, $0x1;
	_ =	strace $0x80000049;
	[dreg:$0x1] =	wrdreg $0xFFFFFFFF  }
0xb6: {  	s28 =	simm.s32 $_size_execute0_lowered;
	s3 =	sadd.s32 s3, s5;
	[dreg:$0x0] =	wrdreg $0x0  }
0xb7: {  	s5 =	sshll.u32 s28, $0x1;
	[dreg:$0x2] =	wrdreg s3  }
0xb8: {  	[dreg:$0x3] =	wrdreg s5  }
0xb9: {  	[dreg:$0x4] =	wrdreg $0xC0  }
0xba: {  	_ =	task [dreg:s22], $0x5FFFF  }
0xbb: {  	[dreg:$0x1] =	wrdreg $0xFFFFFFFF  }
0xbc: {  	[dreg:$0x0] =	wrdreg $0x60  }
0xbd: {  	[dreg:$0x2] =	wrdreg s24  }
0xbe: {  	[dreg:$0x3] =	wrdreg $0xA  }
0xbf: {  	_ =	task.clear_ibuf [dreg:s22], $0x4FFFF;
	_ =	strace $0x90000049  }
0xc0: {  	s29 =	simm.s32 $0xA;
	_ =	strace $0x8000004B  }
0xc1: {  	_ =	swait.ge [sflag:s29], $0x1  }
0xc2: {  	[sflag:s29] =	ssyncadd.s32 $0xFFFFFFFF  }
0xc3: {  	_ =	strace $0x9000004B  }
0xc4: {  	_ =	sfence  }
0xc5: {  	s30 =	sld [smem:$0x0];
	_ =	sdelay $0x2  }
0xc6: {  	s31 =	sshll.u32 s1, $0xD;
	s1 =	sshrl.u32 s1, $0x2  }
0xc7: {  	s4 =	sand.u32 $0x4000, s31;
	s1 =	sadd.s32 s1, s30  }
0xc8: {  	s0 =	sor.u32 s4, s0;
	s1 =	sshll.u32 s1, $0x11  }
0xc9: {  	s0 =	sor.u32 s1, s0  }
0xca: {  	s0 =	sadd.s32 $0x8F2B, s0  }
0xcb: {  	[sflag:s0] =	ssyncadd.remote.s32 $0x1  }
0xcc: {  	_ =	sfence.sel $0xFFFF  }
0xcd: {  	[dreg:$0x0] =	wrdreg $0xFFFFFFFF;
	(pc) =	sbr.abs _section_cstart, $3  }
0xce: {  	[dreg:$0x1] =	wrdreg $0xFFFFFFFF  }
0xcf: {  	_ =	task.clear_ibuf [dreg:s22], $0x2FFFF;
	_ =	strace $0x9FFFFFFF  }
0xd0: {  	(tm) =	ssettm $0x7FFFFFFF  }
0xd1: {  	_ =	shalt  }
tec
execute0_lowered:
.L_overlay_start_1:
0x0: {  	(tag) =	ssettag $0x1  }
0x1: {  	s1 =	srdreg.scid;
	s0 =	stileid.u32  }
0x2: {  	s4 =	rddreg [dreg:$0x0];
	s19 =	simm.s32 $0x880;
	s20 =	simm.s32 $0x1080  }
0x3: {  	s21 =	simm.s32 $0x1880;
	s22 =	simm.s32 $0x2080;
	s23 =	simm.s32 $0x2880  }
0x4: {  	s24 =	simm.s32 $0x3080;
	s25 =	simm.s32 $0x3880;
	s26 =	simm.s32 $0x4080  }
0x5: {  	s7 =	simm.s32 $0x80;
	s9 =	simm.s32 $0x5080;
	s10 =	simm.s32 $0x5880  }
0x6: {  	s11 =	simm.s32 $0x6080;
	s12 =	simm.s32 $0x6880;
	s1 =	sand.u32 $0x1, s1  }
0x7: {  	s13 =	simm.s32 $0x7080;
	s2 =	sshll.u32 s0, $0x8;
	s3 =	sshll.u32 s1, $0x7  }
0x8: {  	s14 =	simm.s32 $0x7880;
	s3 =	sor.u32 s3, s2;
	s2 =	simm.s32 $0x0  }
0x9: {  	s15 =	simm.s32 $0x8080;
	s16 =	simm.s32 $0x8880;
	[smem:$0x7FF] =	sst s2  }
0xa: {  	s17 =	simm.s32 $0x9080;
	_ =	strace $0x8000004A;
	[dreg:$0x4] =	wrdreg s19  }
0xb: {  	s18 =	simm.s32 $0x9880;
	s28 =	simm.s32 $0xE080;
	[dreg:$0x5] =	wrdreg s20  }
0xc: {  	s29 =	simm.s32 $0xE880;
	s30 =	simm.s32 $0xF080;
	[dreg:$0x6] =	wrdreg s21  }
0xd: {  	s31 =	simm.s32 $0xF880;
	s1 =	ssub.s32 $0x2, s1;
	[dreg:$0x7] =	wrdreg s22  }
0xe: {  	s6 =	sshrl.u32 s1, $0x1;
	s5 =	sshrl.u32 s3, $0x3;
	[dreg:$0x8] =	wrdreg s23  }
0xf: {  	s3 =	sshll.u32 s3, $0x6;
	s1 =	ssub.s32 s1, s6;
	[dreg:$0x9] =	wrdreg s24  }
0x10: {  	s6 =	simm.s32 $0x2;
	s5 =	sadd.s32 s5, s4;
	[dreg:$0xa] =	wrdreg s25  }
0x11: {  	s3 =	sadd.s32 s3, s4;
	[dreg:$0xb] =	wrdreg s26;
	s19 =	simm.s32 $0xA080  }
0x12: {  	s20 =	simm.s32 $0xA880;
	s21 =	simm.s32 $0xB080;
	s22 =	simm.s32 $0xB880  }
0x13: {  	s23 =	simm.s32 $0xC080;
	s24 =	simm.s32 $0xC880;
	s5 =	sadd.s32 $0x22800, s5  }
0x14: {  	v2 =	vlaneseq.u32;
	s25 =	simm.s32 $0xD080;
	s3 =	sadd.s32 $0x22A00, s3;
	[dreg:$0x2] =	wrdreg s5  }
0x15: {  	vm0 =	vmmov $0xffff;
	v1 =	vshrl.u32 v2, $0x3;
	s26 =	simm.s32 $0xD880;
	[dreg:$0x3] =	wrdreg s3;
	s3 =	sadd.s32 $0x2400, s4  }
0x16: {  	v0 =	vand.u32 $0x7, v2;
	v2 =	vor.u32 $0x8, v2;
	v1 =	vmul.u32 $0x8, v1;
	s4 =	sadd.s32 $0x2500, s4;
	s5 =	smax.u32 s1, $0x1;
	s1 =	simm.s32 $0x1  }
.LBB2_1:
0x17: {  	s0 =	rddreg [dreg:$0x2]  }
0x18: {  	[tilespmem:s2], [sflag:$0x2] =	stream.linear.gather [hbm4b:s0+s2], $0x80, $0x38;
	[tilespmem:$0x10080] =	vst v63  }
0x19: {  	_ =	swait.ge [sflag:s6], $0x80  }
0x1a: {  	[sflag:s6] =	ssyncset.done $0x0  }
0x1b: {  	[sflag:s6] =	ssyncadd.s32 $0xFFFFFF80  }
0x1c: {  	v3 =	vld [tilespmem:$0x0];
	_ =	sdelay $0x4  }
0x1d: {  	v4 =	vshll.u32 v3, $0x2  }
0x1e: {  	v3 =	vand.u32 $0x7, v3;
	v4 =	vand.u32 $0xFFFFFFE0, v4  }
0x1f: {  	v3 =	vor.u32 v3, v4  }
0x20: {  	v4 =	vperm.xlane v3, v0;
	_ =	sdelay $0x1  }
0x21: {  	v4 =	vadd.s32 v1, v4;
	_ =	sdelay $0x1  }
0x22: {  	v3 =	vperm.xlane v3, v2;
	_ =	sdelay $0x1  }
0x23: {  	v3 =	vadd.s32 v1, v3  }
0x24: {  	[tilespmem:s7], [sflag:$0x1] =	stream.indirect_vreg.gather [hbm4b:s3+s2], $0x80, v4, vm0, $0xb8;
	[tilespmem:$0x10080] =	vst v63  }
0x25: {  	s0 =	rddreg [dreg:$0x4]  }
0x26: {  	[tilespmem:s0], [sflag:$0x1] =	stream.indirect_vreg.gather [hbm4b:s4+s2], $0x80, v4, vm0, $0xb8;
	[tilespmem:$0x10080] =	vst v63  }
0x27: {  	s8 =	rddreg [dreg:$0x5]  }
0x28: {  	[tilespmem:s8], [sflag:$0x1] =	stream.indirect_vreg.gather [hbm4b:s3+s2], $0x80, v3, vm0, $0xb8;
	[tilespmem:$0x10080] =	vst v63  }
0x29: {  	s0 =	rddreg [dreg:$0x6]  }
0x2a: {  	[tilespmem:s0], [sflag:$0x1] =	stream.indirect_vreg.gather [hbm4b:s4+s2], $0x80, v3, vm0, $0xb8;
	[tilespmem:$0x10080] =	vst v63  }
0x2b: {  	v3 =	vld [tilespmem:$0x10];
	_ =	sdelay $0x4  }
0x2c: {  	v57 =	vshll.u32 v3, $0x2  }
0x2d: {  	v3 =	vand.u32 $0x7, v3;
	v4 =	vand.u32 $0xFFFFFFE0, v57  }
0x2e: {  	v3 =	vor.u32 v3, v4  }
0x2f: {  	v4 =	vperm.xlane v3, v0;
	_ =	sdelay $0x1  }
0x30: {  	v4 =	vadd.s32 v1, v4;
	_ =	sdelay $0x1  }
0x31: {  	v3 =	vperm.xlane v3, v2;
	_ =	sdelay $0x1  }
0x32: {  	s0 =	rddreg [dreg:$0x7];
	v3 =	vadd.s32 v1, v3  }
0x33: {  	[tilespmem:s0], [sflag:$0x1] =	stream.indirect_vreg.gather [hbm4b:s3+s2], $0x80, v4, vm0, $0xb8;
	[tilespmem:$0x10080] =	vst v63  }
0x34: {  	s8 =	rddreg [dreg:$0x8]  }
0x35: {  	[tilespmem:s8], [sflag:$0x1] =	stream.indirect_vreg.gather [hbm4b:s4+s2], $0x80, v4, vm0, $0xb8;
	[tilespmem:$0x10080] =	vst v63  }
0x36: {  	s0 =	rddreg [dreg:$0x9]  }
0x37: {  	[tilespmem:s0], [sflag:$0x1] =	stream.indirect_vreg.gather [hbm4b:s3+s2], $0x80, v3, vm0, $0xb8;
	[tilespmem:$0x10080] =	vst v63  }
0x38: {  	s8 =	rddreg [dreg:$0xa]  }
0x39: {  	[tilespmem:s8], [sflag:$0x1] =	stream.indirect_vreg.gather [hbm4b:s4+s2], $0x80, v3, vm0, $0xb8;
	[tilespmem:$0x10080] =	vst v63  }
0x3a: {  	v3 =	vld [tilespmem:$0x20];
	_ =	sdelay $0x4  }
0x3b: {  	v58 =	vshll.u32 v3, $0x2  }
0x3c: {  	v3 =	vand.u32 $0x7, v3;
	v4 =	vand.u32 $0xFFFFFFE0, v58  }
0x3d: {  	v3 =	vor.u32 v3, v4  }
0x3e: {  	v4 =	vperm.xlane v3, v0;
	_ =	sdelay $0x1  }
0x3f: {  	v4 =	vadd.s32 v1, v4;
	_ =	sdelay $0x1  }
0x40: {  	v3 =	vperm.xlane v3, v2;
	_ =	sdelay $0x1  }
0x41: {  	s8 =	rddreg [dreg:$0xb];
	v3 =	vadd.s32 v1, v3  }
0x42: {  	[tilespmem:s8], [sflag:$0x1] =	stream.indirect_vreg.gather [hbm4b:s3+s2], $0x80, v4, vm0, $0xb8;
	[tilespmem:$0x10080] =	vst v63  }
0x43: {  	s8 =	simm.s32 $0x4880  }
0x44: {  	[tilespmem:s8], [sflag:$0x1] =	stream.indirect_vreg.gather [hbm4b:s4+s2], $0x80, v4, vm0, $0xb8;
	[tilespmem:$0x10080] =	vst v63  }
0x45: {  	_ = 	snop  }
0x46: {  	[tilespmem:s9], [sflag:$0x1] =	stream.indirect_vreg.gather [hbm4b:s3+s2], $0x80, v3, vm0, $0xb8;
	[tilespmem:$0x10080] =	vst v63  }
0x47: {  	_ = 	snop  }
0x48: {  	[tilespmem:s10], [sflag:$0x1] =	stream.indirect_vreg.gather [hbm4b:s4+s2], $0x80, v3, vm0, $0xb8;
	[tilespmem:$0x10080] =	vst v63  }
0x49: {  	v3 =	vld [tilespmem:$0x30];
	_ =	sdelay $0x4  }
0x4a: {  	v59 =	vshll.u32 v3, $0x2  }
0x4b: {  	v3 =	vand.u32 $0x7, v3;
	v4 =	vand.u32 $0xFFFFFFE0, v59  }
0x4c: {  	v3 =	vor.u32 v3, v4  }
0x4d: {  	v4 =	vperm.xlane v3, v0;
	_ =	sdelay $0x1  }
0x4e: {  	v4 =	vadd.s32 v1, v4;
	_ =	sdelay $0x1  }
0x4f: {  	v3 =	vperm.xlane v3, v2;
	_ =	sdelay $0x1  }
0x50: {  	v3 =	vadd.s32 v1, v3  }
0x51: {  	[tilespmem:s11], [sflag:$0x1] =	stream.indirect_vreg.gather [hbm4b:s3+s2], $0x80, v4, vm0, $0xb8;
	[tilespmem:$0x10080] =	vst v63  }
0x52: {  	_ = 	snop  }
0x53: {  	[tilespmem:s12], [sflag:$0x1] =	stream.indirect_vreg.gather [hbm4b:s4+s2], $0x80, v4, vm0, $0xb8;
	[tilespmem:$0x10080] =	vst v63  }
0x54: {  	_ = 	snop  }
0x55: {  	[tilespmem:s13], [sflag:$0x1] =	stream.indirect_vreg.gather [hbm4b:s3+s2], $0x80, v3, vm0, $0xb8;
	[tilespmem:$0x10080] =	vst v63  }
0x56: {  	_ = 	snop  }
0x57: {  	[tilespmem:s14], [sflag:$0x1] =	stream.indirect_vreg.gather [hbm4b:s4+s2], $0x80, v3, vm0, $0xb8;
	[tilespmem:$0x10080] =	vst v63  }
0x58: {  	v3 =	vld [tilespmem:$0x40];
	_ =	sdelay $0x4  }
0x59: {  	v60 =	vshll.u32 v3, $0x2  }
0x5a: {  	v3 =	vand.u32 $0x7, v3;
	v4 =	vand.u32 $0xFFFFFFE0, v60  }
0x5b: {  	v3 =	vor.u32 v3, v4  }
0x5c: {  	v4 =	vperm.xlane v3, v0;
	_ =	sdelay $0x1  }
0x5d: {  	v4 =	vadd.s32 v1, v4;
	_ =	sdelay $0x1  }
0x5e: {  	v3 =	vperm.xlane v3, v2;
	_ =	sdelay $0x1  }
0x5f: {  	v3 =	vadd.s32 v1, v3  }
0x60: {  	[tilespmem:s15], [sflag:$0x1] =	stream.indirect_vreg.gather [hbm4b:s3+s2], $0x80, v4, vm0, $0xb8;
	[tilespmem:$0x10080] =	vst v63  }
0x61: {  	_ = 	snop  }
0x62: {  	[tilespmem:s16], [sflag:$0x1] =	stream.indirect_vreg.gather [hbm4b:s4+s2], $0x80, v4, vm0, $0xb8;
	[tilespmem:$0x10080] =	vst v63  }
0x63: {  	_ = 	snop  }
0x64: {  	[tilespmem:s17], [sflag:$0x1] =	stream.indirect_vreg.gather [hbm4b:s3+s2], $0x80, v3, vm0, $0xb8;
	[tilespmem:$0x10080] =	vst v63  }
0x65: {  	_ = 	snop  }
0x66: {  	[tilespmem:s18], [sflag:$0x1] =	stream.indirect_vreg.gather [hbm4b:s4+s2], $0x80, v3, vm0, $0xb8;
	[tilespmem:$0x10080] =	vst v63  }
0x67: {  	v3 =	vld [tilespmem:$0x50];
	_ =	sdelay $0x4  }
0x68: {  	v61 =	vshll.u32 v3, $0x2  }
0x69: {  	v3 =	vand.u32 $0x7, v3;
	v4 =	vand.u32 $0xFFFFFFE0, v61  }
0x6a: {  	v3 =	vor.u32 v3, v4  }
0x6b: {  	v4 =	vperm.xlane v3, v0;
	_ =	sdelay $0x1  }
0x6c: {  	v4 =	vadd.s32 v1, v4;
	_ =	sdelay $0x1  }
0x6d: {  	v3 =	vperm.xlane v3, v2;
	_ =	sdelay $0x1  }
0x6e: {  	v3 =	vadd.s32 v1, v3  }
0x6f: {  	[tilespmem:s19], [sflag:$0x1] =	stream.indirect_vreg.gather [hbm4b:s3+s2], $0x80, v4, vm0, $0xb8;
	[tilespmem:$0x10080] =	vst v63  }
0x70: {  	_ = 	snop  }
0x71: {  	[tilespmem:s20], [sflag:$0x1] =	stream.indirect_vreg.gather [hbm4b:s4+s2], $0x80, v4, vm0, $0xb8;
	[tilespmem:$0x10080] =	vst v63  }
0x72: {  	_ = 	snop  }
0x73: {  	[tilespmem:s21], [sflag:$0x1] =	stream.indirect_vreg.gather [hbm4b:s3+s2], $0x80, v3, vm0, $0xb8;
	[tilespmem:$0x10080] =	vst v63  }
0x74: {  	_ = 	snop  }
0x75: {  	[tilespmem:s22], [sflag:$0x1] =	stream.indirect_vreg.gather [hbm4b:s4+s2], $0x80, v3, vm0, $0xb8;
	[tilespmem:$0x10080] =	vst v63  }
0x76: {  	v3 =	vld [tilespmem:$0x60];
	_ =	sdelay $0x4  }
0x77: {  	v62 =	vshll.u32 v3, $0x2  }
0x78: {  	v3 =	vand.u32 $0x7, v3;
	v4 =	vand.u32 $0xFFFFFFE0, v62  }
0x79: {  	v3 =	vor.u32 v3, v4  }
0x7a: {  	v4 =	vperm.xlane v3, v0;
	_ =	sdelay $0x1  }
0x7b: {  	v4 =	vadd.s32 v1, v4;
	_ =	sdelay $0x1  }
0x7c: {  	v3 =	vperm.xlane v3, v2;
	_ =	sdelay $0x1  }
0x7d: {  	v3 =	vadd.s32 v1, v3  }
0x7e: {  	[tilespmem:s23], [sflag:$0x1] =	stream.indirect_vreg.gather [hbm4b:s3+s2], $0x80, v4, vm0, $0xb8;
	[tilespmem:$0x10080] =	vst v63  }
0x7f: {  	_ = 	snop  }
0x80: {  	[tilespmem:s24], [sflag:$0x1] =	stream.indirect_vreg.gather [hbm4b:s4+s2], $0x80, v4, vm0, $0xb8;
	[tilespmem:$0x10080] =	vst v63  }
0x81: {  	_ = 	snop  }
0x82: {  	[tilespmem:s25], [sflag:$0x1] =	stream.indirect_vreg.gather [hbm4b:s3+s2], $0x80, v3, vm0, $0xb8;
	[tilespmem:$0x10080] =	vst v63  }
0x83: {  	_ = 	snop  }
0x84: {  	[tilespmem:s26], [sflag:$0x1] =	stream.indirect_vreg.gather [hbm4b:s4+s2], $0x80, v3, vm0, $0xb8;
	[tilespmem:$0x10080] =	vst v63  }
0x85: {  	v3 =	vld [tilespmem:$0x70];
	_ =	sdelay $0x4  }
0x86: {  	v63 =	vshll.u32 v3, $0x2  }
0x87: {  	v3 =	vand.u32 $0x7, v3;
	v4 =	vand.u32 $0xFFFFFFE0, v63  }
0x88: {  	v3 =	vor.u32 v3, v4  }
0x89: {  	v4 =	vperm.xlane v3, v0;
	_ =	sdelay $0x1  }
0x8a: {  	v4 =	vadd.s32 v1, v4;
	_ =	sdelay $0x1  }
0x8b: {  	v3 =	vperm.xlane v3, v2;
	_ =	sdelay $0x1  }
0x8c: {  	v3 =	vadd.s32 v1, v3  }
0x8d: {  	[tilespmem:s28], [sflag:$0x1] =	stream.indirect_vreg.gather [hbm4b:s3+s2], $0x80, v4, vm0, $0xb8;
	[tilespmem:$0x10080] =	vst v63  }
0x8e: {  	_ = 	snop  }
0x8f: {  	[tilespmem:s29], [sflag:$0x1] =	stream.indirect_vreg.gather [hbm4b:s4+s2], $0x80, v4, vm0, $0xb8;
	[tilespmem:$0x10080] =	vst v63  }
0x90: {  	_ = 	snop  }
0x91: {  	[tilespmem:s30], [sflag:$0x1] =	stream.indirect_vreg.gather [hbm4b:s3+s2], $0x80, v3, vm0, $0xb8;
	[tilespmem:$0x10080] =	vst v63  }
0x92: {  	_ = 	snop  }
0x93: {  	[tilespmem:s31], [sflag:$0x1] =	stream.indirect_vreg.gather [hbm4b:s4+s2], $0x80, v3, vm0, $0xb8;
	[tilespmem:$0x10080] =	vst v63  }
0x94: {  	_ =	swait.ge [sflag:s1], $0x10000  }
0x95: {  	p0 =	sne.s32 s5, $0x1;
	[sflag:s1] =	ssyncset.done $0x0  }
.Ltmp0:
0x96: {  	s8 =	rddreg [dreg:$0x3];
	[sflag:s1] =	ssyncadd.s32 $0xFFFF0000;
	(pc) =	sbr.rel @p0 .LBB2_1-.Ltmp0, $4  }
0x97: {  	[hbm4b:s8+s2] =	stream.linear.scatter [tilespmem:s7], [sflag:$0x2], $0x10000, $0x38;
	[tilespmem:$0x10080] =	vst v63  }
0x98: {  	_ =	swait.ge [sflag:s6], $0x10000  }
0x99: {  	[sflag:s6] =	ssyncset.done $0x0  }
0x9a: {  	s5 =	sadd.s32 $0xFFFFFFFF, s5;
	[sflag:s6] =	ssyncadd.s32 $0xFFFF0000  }
0x9b: {  	_ =	sfence.sel $0x180000  }
0x9c: {  	[bflag:$0x0] =	sbarrier.arrive $0xFFFF  }
0x9d: {  	_ =	strace $0x9000004A  }
0x9e: {  	s0 =	stileid.u32;
	[bflag:$0x2] =	sbarrier.arrive $0xFFFF  }
0x9f: {  	p0 =	sne.s32 s0, $0x0;
	s0 =	rddreg [dreg:$0x1]  }
0xa0: {  	s0 =	sadd.s32 @!p0 $0x100000, s0  }
0xa1: {  	[sflag:s0] =	ssyncadd.tile.s32 @!p0 $0x1;
	_ =	shalt  }
.Lfunc_end2:
_tile_overlayer_lowered:
.L_overlay_start_2:
0xa2: {  	(tag) =	ssettag $0x2  }
0xa3: {  	s0 =	rddreg [dreg:$0x0];
	s2 =	stileid.u32  }
0xa4: {  	s1 =	rddreg [dreg:$0x1];
	p0 =	sne.s32 s2, $0x0  }
0xa5: {  	s3 =	rddreg [dreg:$0x2];
	[bflag:$0x3] =	sbarrier.arrive $0xFFFF;
	s2 =	simm.s32 @!p0 $0x1C02  }
0xa6: {  	[timem:s3], [sflag:s2] =	dma.local @!p0 [hbm:s0], s1  }
0xa7: {  	s0 =	simm.s32 @!p0 $0x2  }
0xa8: {  	_ =	swait.ge @!p0 [sflag:s0], s1  }
0xa9: {  	s1 =	ssub.s32 @!p0 $0x0, s1;
	[sflag:s0] =	ssyncset.done @!p0 $0x0  }
0xaa: {  	[sflag:s0] =	ssyncadd.s32 @!p0 s1  }
0xab: {  	[bflag:$0x3] =	sbarrier.arrive $0xFFFF  }
0xac: {  	_ =	shalt  }

// kernel: kernel.8.cloned.1.call-start
scs
__scs_entry_jumppad:
0x0: {  	(pc) =	sbr.rel $0x88, $3  }
0x1: {  	(tag) =	ssettag $0x0;
	lr =	simm.s32 $0x1  }
0x2: {  	[smem:$0x3F9A] =	sst lr;
	_ =	strace $0xD0000000  }
0x3: {  	_ = 	snop  }
0x4: {  	_ = 	snop  }
0x5: {  	_ = 	snop  }
0x6: {  	_ = 	snop  }
0x7: {  	_ = 	snop  }
__scs_overlays_trampoline_lowered:
0x8: {  	[smem:$0x3FA9] =	sst s0  }
0x9: {  	[smem:$0x3FAA] =	sst s1  }
0xa: {  	[smem:$0x3FAB] =	sst s2  }
0xb: {  	[smem:$0x3FAC] =	sst s3  }
0xc: {  	[smem:$0x3FAD] =	sst s4  }
0xd: {  	[smem:$0x3FAE] =	sst s5  }
0xe: {  	[smem:$0x3FAF] =	sst s6  }
0xf: {  	[smem:$0x3FB0] =	sst s7  }
0x10: {  	[smem:$0x3FB1] =	sst s8  }
0x11: {  	[smem:$0x3FB2] =	sst s9;
	s0 =	simm.s32 @!p0 $0x0  }
0x12: {  	s1 =	sld [smem:$0x3F98];
	s0 =	simm.s32 @p0 $0x1  }
0x13: {  	[smem:$0x3FB3] =	sst s0;
	s0 =	simm.s32 @!p1 $0x0  }
0x14: {  	s2 =	sld [smem:$0x3F97];
	s0 =	simm.s32 @p1 $0x1  }
0x15: {  	[smem:$0x3FB4] =	sst s0;
	s0 =	simm.s32 @!p2 $0x0  }
0x16: {  	s3 =	sld [smem:$0x3FDB];
	s0 =	simm.s32 @p2 $0x1  }
0x17: {  	s4 =	simm.s32 $0x1BF5;
	[smem:$0x3FB6] =	sst s0  }
0x18: {  	s0 =	sld [smem:$0x3F99];
	_ =	swait.ge [sflag:s4], $0x0  }
0x19: {  	s7 =	sld [smem:$0x3F9A]  }
0x1a: {  	s8 =	sadd.s32 $0xFFFFE003, lr  }
0x1b: {  	s9 =	sadd.s32 $0xFFFFFEF7, lr;
	s5 =	simm.s32 $0xFFFFFFFF;
	p2 =	slt.u32 s8, $0xFFFFF086  }
0x1c: {  	p1 =	slt.u32 s9, $0xF7A;
	s5 =	simm.s32 @!p2 $0x0  }
0x1d: {  	s5 =	simm.s32 @p1 $0x1;
	p0 =	seq.s32 s7, s2  }
0x1e: {  	s7 =	smul.u32 @!p0 $0xF7A, s2;
	p2 =	seq.s32 @!p0 s5, $0x0  }
0x1f: {  	s9 =	smul.u32 $0xF7A, s1;
	s8 =	simm.s32 @!p0 $0x1BF5;
	p2 =	por !p2, p0  }
0x20: {  	[sflag:s8] =	ssyncset.s32 @!p0 $0xFFFFF086;
	s6 =	sadd.s32 @!p0 s3, s7;
	s7 =	simm.s32 @!p0 $0x108  }
0x21: {  	s3 =	sadd.s32 s3, s9;
	s6 =	sadd.s32 @!p0 $0x88, s6;
	s7 =	simm.s32 @p2 $0x1082  }
0x22: {  	[simem:s7], [sflag:s8] =	dma.local @!p0 [hbm:s6], $0xF7A  }
0x23: {  	s9 =	sor.u32 $0xD0000000, s2;
	s6 =	simm.s32 $0x108;
	_ =	swait.ge @!p0 [sflag:s8], $0x0  }
0x24: {  	s3 =	sadd.s32 $0x88, s3;
	s6 =	simm.s32 @!p1 $0x1082;
	[sflag:s4] =	ssyncset.s32 $0xFFFFF086  }
0x25: {  	[simem:s6], [sflag:s4] =	dma.local [hbm:s3], $0xF7A  }
0x26: {  	[smem:$0x3F9A] =	sst s1;
	(tag) =	ssettag s2;
	_ =	strace s9  }
0x27: {  	s1 =	sld [smem:$0x3FAA]  }
0x28: {  	s2 =	sld [smem:$0x3FAB]  }
0x29: {  	s4 =	sld [smem:$0x3FAD]  }
0x2a: {  	p0 =	seq.s32 s5, $0x0;
	s5 =	sld [smem:$0x3FAE]  }
0x2b: {  	s6 =	sld [smem:$0x3FAF]  }
0x2c: {  	s7 =	sld [smem:$0x3FB0]  }
0x2d: {  	s3 =	simm.s32 $0x108;
	s8 =	sld [smem:$0x3FB1]  }
0x2e: {  	s3 =	simm.s32 @!p0 $0x1082;
	s9 =	sld [smem:$0x3FB2]  }
0x2f: {  	lr =	sadd.s32 s0, s3;
	s0 =	sld [smem:$0x3FA9]  }
0x30: {  	s3 =	sld [smem:$0x3FAC]  }
0x31: {  	[smem:$0x3FB5] =	sst s10  }
0x32: {  	s10 =	sld [smem:$0x3FB3];
	_ =	sdelay $0x3  }
0x33: {  	p0 =	seq.s32 s10, $0x1;
	s10 =	sld [smem:$0x3FB5];
	_ =	sdelay $0x3  }
0x34: {  	[smem:$0x3FB5] =	sst s10  }
0x35: {  	s10 =	sld [smem:$0x3FB4];
	_ =	sdelay $0x3  }
0x36: {  	p1 =	seq.s32 s10, $0x1;
	s10 =	sld [smem:$0x3FB5];
	_ =	sdelay $0x3  }
0x37: {  	[smem:$0x3FB5] =	sst s10  }
0x38: {  	s10 =	sld [smem:$0x3FB6]  }
0x39: {  	_ = 	snop;
	(pc) =	sbr.ind lr, $3  }
0x3a: {  	_ = 	snop  }
0x3b: {  	_ = 	snop  }
0x3c: {  	p2 =	seq.s32 s10, $0x1;
	s10 =	sld [smem:$0x3FB5]  }
0x3d: {  	_ =	shalt  }
0x3e: {  	_ =	shalt  }
0x3f: {  	_ =	shalt  }
0x40: {  	_ =	shalt  }
0x41: {  	_ =	shalt  }
0x42: {  	_ =	shalt  }
0x43: {  	_ =	shalt  }
0x44: {  	_ =	shalt  }
0x45: {  	_ =	shalt  }
0x46: {  	_ =	shalt  }
0x47: {  	_ =	shalt  }
0x48: {  	_ =	shalt  }
0x49: {  	_ =	shalt  }
0x4a: {  	_ =	shalt  }
0x4b: {  	_ =	shalt  }
0x4c: {  	_ =	shalt  }
0x4d: {  	_ =	shalt  }
0x4e: {  	_ =	shalt  }
0x4f: {  	_ =	shalt  }
0x50: {  	_ =	shalt  }
0x51: {  	_ =	shalt  }
0x52: {  	_ =	shalt  }
0x53: {  	_ =	shalt  }
0x54: {  	_ =	shalt  }
0x55: {  	_ =	shalt  }
0x56: {  	_ =	shalt  }
0x57: {  	_ =	shalt  }
0x58: {  	_ =	shalt  }
0x59: {  	_ =	shalt  }
0x5a: {  	_ =	shalt  }
0x5b: {  	_ =	shalt  }
0x5c: {  	_ =	shalt  }
0x5d: {  	_ =	shalt  }
0x5e: {  	_ =	shalt  }
0x5f: {  	_ =	shalt  }
0x60: {  	_ =	shalt  }
0x61: {  	_ =	shalt  }
0x62: {  	_ =	shalt  }
0x63: {  	_ =	shalt  }
0x64: {  	_ =	shalt  }
0x65: {  	_ =	shalt  }
0x66: {  	_ =	shalt  }
0x67: {  	_ =	shalt  }
0x68: {  	_ =	shalt  }
0x69: {  	_ =	shalt  }
0x6a: {  	_ =	shalt  }
0x6b: {  	_ =	shalt  }
0x6c: {  	_ =	shalt  }
0x6d: {  	_ =	shalt  }
0x6e: {  	_ =	shalt  }
0x6f: {  	_ =	shalt  }
0x70: {  	_ =	shalt  }
0x71: {  	_ =	shalt  }
0x72: {  	_ =	shalt  }
0x73: {  	_ =	shalt  }
0x74: {  	_ =	shalt  }
0x75: {  	_ =	shalt  }
0x76: {  	_ =	shalt  }
0x77: {  	_ =	shalt  }
0x78: {  	_ =	shalt  }
0x79: {  	_ =	shalt  }
0x7a: {  	_ =	shalt  }
0x7b: {  	_ =	shalt  }
0x7c: {  	_ =	shalt  }
0x7d: {  	_ =	shalt  }
0x7e: {  	_ =	shalt  }
0x7f: {  	_ =	shalt  }
0x80: {  	_ =	shalt  }
0x81: {  	_ =	shalt  }
0x82: {  	_ =	shalt  }
0x83: {  	_ =	shalt  }
0x84: {  	_ =	shalt  }
0x85: {  	_ =	shalt  }
0x86: {  	_ =	shalt  }
0x87: {  	_ =	shalt  }
.Lfunc_end0:
.L_simem_size_0:
called_computation_lowered:
.L_overlay_start_0:
0x88: {  	s2 =	sld [smem:$0x3FD9]  }
0x89: {  	s3 =	sld [smem:$0x3FFE];
	_ =	sdelay $0x1  }
0x8a: {  	s1 =	srdreg.scid  }
0x8b: {  	s0 =	sand.u32 $0x1, s1  }
0x8c: {  	s14 =	sshll.u32 s0, $0xA;
	s2 =	sadd.s32 s3, s2  }
0x8d: {  	s2 =	sadd.s32 s2, s14  }
0x8e: {  	[smem:$0x3FC1] =	sst s2  }
0x8f: {  	_ = 	snop  }
0x90: {  	s2 =	sld [smem:$0x3FD0];
	_ =	sdelay $0x2  }
0x91: {  	s15 =	simm.s32 $0xB;
	s4 =	simm.s32 $0x10  }
0x92: {  	[smem:s4], [sflag:s15] =	dma.local [hbm:s2], $0x1  }
0x93: {  	_ =	swait.eq [sflag:s15], $0x1  }
0x94: {  	[sflag:s15] =	ssyncset.done $0x0  }
0x95: {  	[sflag:s15] =	ssyncadd.s32 $0xFFFFFFFF  }
0x96: {  	s16 =	sld [smem:$0x10];
	(tm) =	ssettm $0x1  }
0x97: {  	s17 =	sld [smem:$0x3FFB];
	_ =	sdelay $0x3  }
0x98: {  	_ =	strace s17  }
0x99: {  	s3 =	sld [smem:$0x3FFC];
	_ =	sdelay $0x3  }
0x9a: {  	_ =	strace s3  }
0x9b: {  	s3 =	sld [smem:$0x3FFD];
	_ =	sdelay $0x3  }
0x9c: {  	_ =	strace s3  }
0x9d: {  	_ =	strace $0x8FFFFFFF  }
0x9e: {  	s18 =	sld [smem:$0x3FDB];
	_ =	sdelay $0x1  }
0x9f: {  	s19 =	simm.s32 $_scs_section_size  }
0xa0: {  	s5 =	simm.s32 $_size__tile_overlayer_lowered;
	s6 =	simm.s32 $_tile_overlayer_lowered  }
0xa1: {  	s22 =	simm.s32 $0x1BFF;
	s21 =	sshll.u32 s6, $0x1;
	s3 =	sadd.s32 s19, s18  }
0xa2: {  	s7 =	simm.s32 $0x0;
	s20 =	sshll.u32 s5, $0x1;
	s5 =	sadd.s32 s21, s3  }
0xa3: {  	[timem:s7], [sflag:s22] =	dma.local [hbm:s5], s20  }
0xa4: {  	_ =	swait.ge [sflag:s22], s20  }
0xa5: {  	s4 =	ssub.s32 $0x0, s20;
	[sflag:s22] =	ssyncset.done $0x0  }
0xa6: {  	[sflag:s22] =	ssyncadd.s32 s4;
	_ =	sdelay $0x1  }
0xa7: {  	s23 =	simm.s32 $0x1B8B  }
0xa8: {  	_ =	swait.ge [sflag:s23], $0x1  }
0xa9: {  	[sflag:s23] =	ssyncset.done $0x0  }
0xaa: {  	s25 =	simm.s32 $0x1B8E;
	s24 =	sld [smem:$0x3FFE];
	[sflag:s23] =	ssyncadd.s32 $0xFFFFFFFF  }
0xab: {  	s26 =	simm.s32 $execute0_lowered;
	[smem:$0x3FD2] =	sst s25  }
0xac: {  	s5 =	sshll.u32 s26, $0x1;
	_ =	strace $0x80000046;
	[dreg:$0x1] =	wrdreg $0xFFFFFFFF  }
0xad: {  	s28 =	simm.s32 $_size_execute0_lowered;
	s3 =	sadd.s32 s3, s5;
	[dreg:$0x0] =	wrdreg $0x0  }
0xae: {  	s5 =	sshll.u32 s28, $0x1;
	[dreg:$0x2] =	wrdreg s3  }
0xaf: {  	[dreg:$0x3] =	wrdreg s5  }
0xb0: {  	[dreg:$0x4] =	wrdreg $0xC0  }
0xb1: {  	_ =	task [dreg:s7], $0x5FFFF  }
0xb2: {  	[dreg:$0x1] =	wrdreg $0xFFFFFFFF  }
0xb3: {  	[dreg:$0x0] =	wrdreg $0x60  }
0xb4: {  	[dreg:$0x2] =	wrdreg s24  }
0xb5: {  	[dreg:$0x3] =	wrdreg s16  }
0xb6: {  	[dreg:$0x4] =	wrdreg $0x9  }
0xb7: {  	_ =	task.clear_ibuf [dreg:s7], $0x5FFFF;
	_ =	strace $0x90000046  }
0xb8: {  	s29 =	simm.s32 $0x9;
	_ =	strace $0x80000048  }
0xb9: {  	_ =	swait.ge [sflag:s29], $0x1  }
0xba: {  	[sflag:s29] =	ssyncadd.s32 $0xFFFFFFFF  }
0xbb: {  	_ =	strace $0x90000048  }
0xbc: {  	_ =	sfence  }
0xbd: {  	s30 =	sld [smem:$0x0];
	_ =	sdelay $0x2  }
0xbe: {  	s31 =	sshll.u32 s1, $0xD;
	s1 =	sshrl.u32 s1, $0x2  }
0xbf: {  	s3 =	sand.u32 $0x4000, s31;
	s1 =	sadd.s32 s1, s30  }
0xc0: {  	s0 =	sor.u32 s3, s0;
	s1 =	sshll.u32 s1, $0x11  }
0xc1: {  	s0 =	sor.u32 s1, s0  }
0xc2: {  	s0 =	sadd.s32 $0x8F2B, s0  }
0xc3: {  	[sflag:s0] =	ssyncadd.remote.s32 $0x1  }
0xc4: {  	_ =	sfence.sel $0xFFFF  }
0xc5: {  	[dreg:$0x0] =	wrdreg $0xFFFFFFFF;
	(pc) =	sbr.abs _section_cstart, $3  }
0xc6: {  	[dreg:$0x1] =	wrdreg $0xFFFFFFFF  }
0xc7: {  	_ =	task.clear_ibuf [dreg:s7], $0x2FFFF;
	_ =	strace $0x9FFFFFFF  }
0xc8: {  	(tm) =	ssettm $0x7FFFFFFF  }
0xc9: {  	_ =	shalt  }
tec
execute0_lowered:
.L_overlay_start_1:
0x0: {  	(tag) =	ssettag $0x1  }
0x1: {  	s1 =	srdreg.scid;
	s4 =	rddreg [dreg:$0x0]  }
0x2: {  	s0 =	stileid.u32;
	s5 =	rddreg [dreg:$0x1];
	s18 =	simm.s32 $0x880  }
0x3: {  	s19 =	simm.s32 $0x1080;
	s20 =	simm.s32 $0x1880;
	s21 =	simm.s32 $0x2080  }
0x4: {  	s23 =	simm.s32 $0x2880;
	s24 =	simm.s32 $0x3080;
	s25 =	simm.s32 $0x3880  }
0x5: {  	s26 =	simm.s32 $0x4080;
	s7 =	simm.s32 $0x80;
	s9 =	simm.s32 $0x5080  }
0x6: {  	s10 =	simm.s32 $0x5880;
	s11 =	simm.s32 $0x6080;
	s1 =	sand.u32 $0x1, s1  }
0x7: {  	s12 =	simm.s32 $0x6880;
	s2 =	sshll.u32 s0, $0x8;
	s3 =	sshll.u32 s1, $0x7  }
0x8: {  	s13 =	simm.s32 $0x7080;
	s3 =	sor.u32 s3, s2;
	s2 =	simm.s32 $0x0  }
0x9: {  	s14 =	simm.s32 $0x7880;
	s15 =	simm.s32 $0x8080;
	[smem:$0x7FF] =	sst s2  }
0xa: {  	s16 =	simm.s32 $0x8880;
	_ =	strace $0x80000047;
	[dreg:$0x5] =	wrdreg s18  }
0xb: {  	s17 =	simm.s32 $0x9080;
	s28 =	simm.s32 $0xE080;
	[dreg:$0x6] =	wrdreg s19  }
0xc: {  	s29 =	simm.s32 $0xE880;
	s30 =	simm.s32 $0xF080;
	[dreg:$0x7] =	wrdreg s20  }
0xd: {  	s31 =	simm.s32 $0xF880;
	s1 =	ssub.s32 $0x2, s1;
	[dreg:$0x8] =	wrdreg s21  }
0xe: {  	s22 =	sshrl.u32 s1, $0x1;
	s6 =	sshrl.u32 s3, $0x3;
	[dreg:$0x9] =	wrdreg s23  }
0xf: {  	s3 =	sshll.u32 s3, $0x6;
	s1 =	ssub.s32 s1, s22;
	[dreg:$0xa] =	wrdreg s24  }
0x10: {  	s22 =	simm.s32 $0xB880;
	s6 =	sadd.s32 s6, s4;
	[dreg:$0xb] =	wrdreg s25  }
0x11: {  	s3 =	sadd.s32 s5, s3;
	s5 =	smax.u32 s1, $0x1;
	[dreg:$0xc] =	wrdreg s26  }
0x12: {  	s18 =	simm.s32 $0x9880;
	s19 =	simm.s32 $0xA080;
	s20 =	simm.s32 $0xA880  }
0x13: {  	s21 =	simm.s32 $0xB080;
	s23 =	simm.s32 $0xC080;
	s24 =	simm.s32 $0xC880  }
0x14: {  	v2 =	vlaneseq.u32;
	s25 =	simm.s32 $0xD080;
	s26 =	simm.s32 $0xD880;
	s1 =	simm.s32 $0x1  }
0x15: {  	vm0 =	vmmov $0xffff;
	v1 =	vshrl.u32 v2, $0x3;
	s6 =	sadd.s32 $0x22400, s6;
	[dreg:$0x4] =	wrdreg s3;
	s3 =	sadd.s32 $0x2400, s4  }
0x16: {  	v0 =	vand.u32 $0x7, v2;
	v2 =	vor.u32 $0x8, v2;
	v1 =	vmul.u32 $0x8, v1;
	s4 =	sadd.s32 $0x2500, s4;
	[dreg:$0x3] =	wrdreg s6;
	s6 =	simm.s32 $0x2  }
.LBB2_1:
0x17: {  	s0 =	rddreg [dreg:$0x3]  }
0x18: {  	[tilespmem:s2], [sflag:$0x2] =	stream.linear.gather [hbm4b:s0+s2], $0x80, $0x38;
	[tilespmem:$0x10080] =	vst v63  }
0x19: {  	_ =	swait.ge [sflag:s6], $0x80  }
0x1a: {  	[sflag:s6] =	ssyncset.done $0x0  }
0x1b: {  	[sflag:s6] =	ssyncadd.s32 $0xFFFFFF80  }
0x1c: {  	v3 =	vld [tilespmem:$0x0];
	_ =	sdelay $0x4  }
0x1d: {  	v4 =	vshll.u32 v3, $0x2  }
0x1e: {  	v3 =	vand.u32 $0x7, v3;
	v4 =	vand.u32 $0xFFFFFFE0, v4  }
0x1f: {  	v3 =	vor.u32 v3, v4  }
0x20: {  	v4 =	vperm.xlane v3, v0;
	_ =	sdelay $0x1  }
0x21: {  	v4 =	vadd.s32 v1, v4;
	_ =	sdelay $0x1  }
0x22: {  	v3 =	vperm.xlane v3, v2;
	_ =	sdelay $0x1  }
0x23: {  	v3 =	vadd.s32 v1, v3  }
0x24: {  	[tilespmem:s7], [sflag:$0x1] =	stream.indirect_vreg.gather [hbm4b:s3+s2], $0x80, v4, vm0, $0xb8;
	[tilespmem:$0x10080] =	vst v63  }
0x25: {  	s0 =	rddreg [dreg:$0x5]  }
0x26: {  	[tilespmem:s0], [sflag:$0x1] =	stream.indirect_vreg.gather [hbm4b:s4+s2], $0x80, v4, vm0, $0xb8;
	[tilespmem:$0x10080] =	vst v63  }
0x27: {  	s8 =	rddreg [dreg:$0x6]  }
0x28: {  	[tilespmem:s8], [sflag:$0x1] =	stream.indirect_vreg.gather [hbm4b:s3+s2], $0x80, v3, vm0, $0xb8;
	[tilespmem:$0x10080] =	vst v63  }
0x29: {  	s0 =	rddreg [dreg:$0x7]  }
0x2a: {  	[tilespmem:s0], [sflag:$0x1] =	stream.indirect_vreg.gather [hbm4b:s4+s2], $0x80, v3, vm0, $0xb8;
	[tilespmem:$0x10080] =	vst v63  }
0x2b: {  	v3 =	vld [tilespmem:$0x10];
	_ =	sdelay $0x4  }
0x2c: {  	v57 =	vshll.u32 v3, $0x2  }
0x2d: {  	v3 =	vand.u32 $0x7, v3;
	v4 =	vand.u32 $0xFFFFFFE0, v57  }
0x2e: {  	v3 =	vor.u32 v3, v4  }
0x2f: {  	v4 =	vperm.xlane v3, v0;
	_ =	sdelay $0x1  }
0x30: {  	v4 =	vadd.s32 v1, v4;
	_ =	sdelay $0x1  }
0x31: {  	v3 =	vperm.xlane v3, v2;
	_ =	sdelay $0x1  }
0x32: {  	s0 =	rddreg [dreg:$0x8];
	v3 =	vadd.s32 v1, v3  }
0x33: {  	[tilespmem:s0], [sflag:$0x1] =	stream.indirect_vreg.gather [hbm4b:s3+s2], $0x80, v4, vm0, $0xb8;
	[tilespmem:$0x10080] =	vst v63  }
0x34: {  	s8 =	rddreg [dreg:$0x9]  }
0x35: {  	[tilespmem:s8], [sflag:$0x1] =	stream.indirect_vreg.gather [hbm4b:s4+s2], $0x80, v4, vm0, $0xb8;
	[tilespmem:$0x10080] =	vst v63  }
0x36: {  	s0 =	rddreg [dreg:$0xa]  }
0x37: {  	[tilespmem:s0], [sflag:$0x1] =	stream.indirect_vreg.gather [hbm4b:s3+s2], $0x80, v3, vm0, $0xb8;
	[tilespmem:$0x10080] =	vst v63  }
0x38: {  	s8 =	rddreg [dreg:$0xb]  }
0x39: {  	[tilespmem:s8], [sflag:$0x1] =	stream.indirect_vreg.gather [hbm4b:s4+s2], $0x80, v3, vm0, $0xb8;
	[tilespmem:$0x10080] =	vst v63  }
0x3a: {  	v3 =	vld [tilespmem:$0x20];
	_ =	sdelay $0x4  }
0x3b: {  	v58 =	vshll.u32 v3, $0x2  }
0x3c: {  	v3 =	vand.u32 $0x7, v3;
	v4 =	vand.u32 $0xFFFFFFE0, v58  }
0x3d: {  	v3 =	vor.u32 v3, v4  }
0x3e: {  	v4 =	vperm.xlane v3, v0;
	_ =	sdelay $0x1  }
0x3f: {  	v4 =	vadd.s32 v1, v4;
	_ =	sdelay $0x1  }
0x40: {  	v3 =	vperm.xlane v3, v2;
	_ =	sdelay $0x1  }
0x41: {  	s8 =	rddreg [dreg:$0xc];
	v3 =	vadd.s32 v1, v3  }
0x42: {  	[tilespmem:s8], [sflag:$0x1] =	stream.indirect_vreg.gather [hbm4b:s3+s2], $0x80, v4, vm0, $0xb8;
	[tilespmem:$0x10080] =	vst v63  }
0x43: {  	s8 =	simm.s32 $0x4880  }
0x44: {  	[tilespmem:s8], [sflag:$0x1] =	stream.indirect_vreg.gather [hbm4b:s4+s2], $0x80, v4, vm0, $0xb8;
	[tilespmem:$0x10080] =	vst v63  }
0x45: {  	_ = 	snop  }
0x46: {  	[tilespmem:s9], [sflag:$0x1] =	stream.indirect_vreg.gather [hbm4b:s3+s2], $0x80, v3, vm0, $0xb8;
	[tilespmem:$0x10080] =	vst v63  }
0x47: {  	_ = 	snop  }
0x48: {  	[tilespmem:s10], [sflag:$0x1] =	stream.indirect_vreg.gather [hbm4b:s4+s2], $0x80, v3, vm0, $0xb8;
	[tilespmem:$0x10080] =	vst v63  }
0x49: {  	v3 =	vld [tilespmem:$0x30];
	_ =	sdelay $0x4  }
0x4a: {  	v59 =	vshll.u32 v3, $0x2  }
0x4b: {  	v3 =	vand.u32 $0x7, v3;
	v4 =	vand.u32 $0xFFFFFFE0, v59  }
0x4c: {  	v3 =	vor.u32 v3, v4  }
0x4d: {  	v4 =	vperm.xlane v3, v0;
	_ =	sdelay $0x1  }
0x4e: {  	v4 =	vadd.s32 v1, v4;
	_ =	sdelay $0x1  }
0x4f: {  	v3 =	vperm.xlane v3, v2;
	_ =	sdelay $0x1  }
0x50: {  	v3 =	vadd.s32 v1, v3  }
0x51: {  	[tilespmem:s11], [sflag:$0x1] =	stream.indirect_vreg.gather [hbm4b:s3+s2], $0x80, v4, vm0, $0xb8;
	[tilespmem:$0x10080] =	vst v63  }
0x52: {  	_ = 	snop  }
0x53: {  	[tilespmem:s12], [sflag:$0x1] =	stream.indirect_vreg.gather [hbm4b:s4+s2], $0x80, v4, vm0, $0xb8;
	[tilespmem:$0x10080] =	vst v63  }
0x54: {  	_ = 	snop  }
0x55: {  	[tilespmem:s13], [sflag:$0x1] =	stream.indirect_vreg.gather [hbm4b:s3+s2], $0x80, v3, vm0, $0xb8;
	[tilespmem:$0x10080] =	vst v63  }
0x56: {  	_ = 	snop  }
0x57: {  	[tilespmem:s14], [sflag:$0x1] =	stream.indirect_vreg.gather [hbm4b:s4+s2], $0x80, v3, vm0, $0xb8;
	[tilespmem:$0x10080] =	vst v63  }
0x58: {  	v3 =	vld [tilespmem:$0x40];
	_ =	sdelay $0x4  }
0x59: {  	v60 =	vshll.u32 v3, $0x2  }
0x5a: {  	v3 =	vand.u32 $0x7, v3;
	v4 =	vand.u32 $0xFFFFFFE0, v60  }
0x5b: {  	v3 =	vor.u32 v3, v4  }
0x5c: {  	v4 =	vperm.xlane v3, v0;
	_ =	sdelay $0x1  }
0x5d: {  	v4 =	vadd.s32 v1, v4;
	_ =	sdelay $0x1  }
0x5e: {  	v3 =	vperm.xlane v3, v2;
	_ =	sdelay $0x1  }
0x5f: {  	v3 =	vadd.s32 v1, v3  }
0x60: {  	[tilespmem:s15], [sflag:$0x1] =	stream.indirect_vreg.gather [hbm4b:s3+s2], $0x80, v4, vm0, $0xb8;
	[tilespmem:$0x10080] =	vst v63  }
0x61: {  	_ = 	snop  }
0x62: {  	[tilespmem:s16], [sflag:$0x1] =	stream.indirect_vreg.gather [hbm4b:s4+s2], $0x80, v4, vm0, $0xb8;
	[tilespmem:$0x10080] =	vst v63  }
0x63: {  	_ = 	snop  }
0x64: {  	[tilespmem:s17], [sflag:$0x1] =	stream.indirect_vreg.gather [hbm4b:s3+s2], $0x80, v3, vm0, $0xb8;
	[tilespmem:$0x10080] =	vst v63  }
0x65: {  	_ = 	snop  }
0x66: {  	[tilespmem:s18], [sflag:$0x1] =	stream.indirect_vreg.gather [hbm4b:s4+s2], $0x80, v3, vm0, $0xb8;
	[tilespmem:$0x10080] =	vst v63  }
0x67: {  	v3 =	vld [tilespmem:$0x50];
	_ =	sdelay $0x4  }
0x68: {  	v61 =	vshll.u32 v3, $0x2  }
0x69: {  	v3 =	vand.u32 $0x7, v3;
	v4 =	vand.u32 $0xFFFFFFE0, v61  }
0x6a: {  	v3 =	vor.u32 v3, v4  }
0x6b: {  	v4 =	vperm.xlane v3, v0;
	_ =	sdelay $0x1  }
0x6c: {  	v4 =	vadd.s32 v1, v4;
	_ =	sdelay $0x1  }
0x6d: {  	v3 =	vperm.xlane v3, v2;
	_ =	sdelay $0x1  }
0x6e: {  	v3 =	vadd.s32 v1, v3  }
0x6f: {  	[tilespmem:s19], [sflag:$0x1] =	stream.indirect_vreg.gather [hbm4b:s3+s2], $0x80, v4, vm0, $0xb8;
	[tilespmem:$0x10080] =	vst v63  }
0x70: {  	_ = 	snop  }
0x71: {  	[tilespmem:s20], [sflag:$0x1] =	stream.indirect_vreg.gather [hbm4b:s4+s2], $0x80, v4, vm0, $0xb8;
	[tilespmem:$0x10080] =	vst v63  }
0x72: {  	_ = 	snop  }
0x73: {  	[tilespmem:s21], [sflag:$0x1] =	stream.indirect_vreg.gather [hbm4b:s3+s2], $0x80, v3, vm0, $0xb8;
	[tilespmem:$0x10080] =	vst v63  }
0x74: {  	_ = 	snop  }
0x75: {  	[tilespmem:s22], [sflag:$0x1] =	stream.indirect_vreg.gather [hbm4b:s4+s2], $0x80, v3, vm0, $0xb8;
	[tilespmem:$0x10080] =	vst v63  }
0x76: {  	v3 =	vld [tilespmem:$0x60];
	_ =	sdelay $0x4  }
0x77: {  	v62 =	vshll.u32 v3, $0x2  }
0x78: {  	v3 =	vand.u32 $0x7, v3;
	v4 =	vand.u32 $0xFFFFFFE0, v62  }
0x79: {  	v3 =	vor.u32 v3, v4  }
0x7a: {  	v4 =	vperm.xlane v3, v0;
	_ =	sdelay $0x1  }
0x7b: {  	v4 =	vadd.s32 v1, v4;
	_ =	sdelay $0x1  }
0x7c: {  	v3 =	vperm.xlane v3, v2;
	_ =	sdelay $0x1  }
0x7d: {  	v3 =	vadd.s32 v1, v3  }
0x7e: {  	[tilespmem:s23], [sflag:$0x1] =	stream.indirect_vreg.gather [hbm4b:s3+s2], $0x80, v4, vm0, $0xb8;
	[tilespmem:$0x10080] =	vst v63  }
0x7f: {  	_ = 	snop  }
0x80: {  	[tilespmem:s24], [sflag:$0x1] =	stream.indirect_vreg.gather [hbm4b:s4+s2], $0x80, v4, vm0, $0xb8;
	[tilespmem:$0x10080] =	vst v63  }
0x81: {  	_ = 	snop  }
0x82: {  	[tilespmem:s25], [sflag:$0x1] =	stream.indirect_vreg.gather [hbm4b:s3+s2], $0x80, v3, vm0, $0xb8;
	[tilespmem:$0x10080] =	vst v63  }
0x83: {  	_ = 	snop  }
0x84: {  	[tilespmem:s26], [sflag:$0x1] =	stream.indirect_vreg.gather [hbm4b:s4+s2], $0x80, v3, vm0, $0xb8;
	[tilespmem:$0x10080] =	vst v63  }
0x85: {  	v3 =	vld [tilespmem:$0x70];
	_ =	sdelay $0x4  }
0x86: {  	v63 =	vshll.u32 v3, $0x2  }
0x87: {  	v3 =	vand.u32 $0x7, v3;
	v4 =	vand.u32 $0xFFFFFFE0, v63  }
0x88: {  	v3 =	vor.u32 v3, v4  }
0x89: {  	v4 =	vperm.xlane v3, v0;
	_ =	sdelay $0x1  }
0x8a: {  	v4 =	vadd.s32 v1, v4;
	_ =	sdelay $0x1  }
0x8b: {  	v3 =	vperm.xlane v3, v2;
	_ =	sdelay $0x1  }
0x8c: {  	v3 =	vadd.s32 v1, v3  }
0x8d: {  	[tilespmem:s28], [sflag:$0x1] =	stream.indirect_vreg.gather [hbm4b:s3+s2], $0x80, v4, vm0, $0xb8;
	[tilespmem:$0x10080] =	vst v63  }
0x8e: {  	_ = 	snop  }
0x8f: {  	[tilespmem:s29], [sflag:$0x1] =	stream.indirect_vreg.gather [hbm4b:s4+s2], $0x80, v4, vm0, $0xb8;
	[tilespmem:$0x10080] =	vst v63  }
0x90: {  	_ = 	snop  }
0x91: {  	[tilespmem:s30], [sflag:$0x1] =	stream.indirect_vreg.gather [hbm4b:s3+s2], $0x80, v3, vm0, $0xb8;
	[tilespmem:$0x10080] =	vst v63  }
0x92: {  	_ = 	snop  }
0x93: {  	[tilespmem:s31], [sflag:$0x1] =	stream.indirect_vreg.gather [hbm4b:s4+s2], $0x80, v3, vm0, $0xb8;
	[tilespmem:$0x10080] =	vst v63  }
0x94: {  	_ =	swait.ge [sflag:s1], $0x10000  }
0x95: {  	p0 =	sne.s32 s5, $0x1;
	[sflag:s1] =	ssyncset.done $0x0  }
.Ltmp0:
0x96: {  	s8 =	rddreg [dreg:$0x4];
	[sflag:s1] =	ssyncadd.s32 $0xFFFF0000;
	(pc) =	sbr.rel @p0 .LBB2_1-.Ltmp0, $4  }
0x97: {  	[hbm4b:s8+s2] =	stream.linear.scatter [tilespmem:s7], [sflag:$0x2], $0x10000, $0x38;
	[tilespmem:$0x10080] =	vst v63  }
0x98: {  	_ =	swait.ge [sflag:s6], $0x10000  }
0x99: {  	[sflag:s6] =	ssyncset.done $0x0  }
0x9a: {  	s5 =	sadd.s32 $0xFFFFFFFF, s5;
	[sflag:s6] =	ssyncadd.s32 $0xFFFF0000  }
0x9b: {  	_ =	sfence.sel $0x180000  }
0x9c: {  	[bflag:$0x0] =	sbarrier.arrive $0xFFFF  }
0x9d: {  	_ =	strace $0x90000047  }
0x9e: {  	s0 =	stileid.u32;
	[bflag:$0x2] =	sbarrier.arrive $0xFFFF  }
0x9f: {  	p0 =	sne.s32 s0, $0x0;
	s0 =	rddreg [dreg:$0x2]  }
0xa0: {  	s0 =	sadd.s32 @!p0 $0x100000, s0  }
0xa1: {  	[sflag:s0] =	ssyncadd.tile.s32 @!p0 $0x1;
	_ =	shalt  }
.Lfunc_end2:
_tile_overlayer_lowered:
.L_overlay_start_2:
0xa2: {  	(tag) =	ssettag $0x2  }
0xa3: {  	s0 =	rddreg [dreg:$0x0];
	s2 =	stileid.u32  }
0xa4: {  	s1 =	rddreg [dreg:$0x1];
	p0 =	sne.s32 s2, $0x0  }
0xa5: {  	s3 =	rddreg [dreg:$0x2];
	[bflag:$0x3] =	sbarrier.arrive $0xFFFF;
	s2 =	simm.s32 @!p0 $0x1C02  }
0xa6: {  	[timem:s3], [sflag:s2] =	dma.local @!p0 [hbm:s0], s1  }
0xa7: {  	s0 =	simm.s32 @!p0 $0x2  }
0xa8: {  	_ =	swait.ge @!p0 [sflag:s0], s1  }
0xa9: {  	s1 =	ssub.s32 @!p0 $0x0, s1;
	[sflag:s0] =	ssyncset.done @!p0 $0x0  }
0xaa: {  	[sflag:s0] =	ssyncadd.s32 @!p0 s1  }
0xab: {  	[bflag:$0x3] =	sbarrier.arrive $0xFFFF  }
0xac: {  	_ =	shalt  }

</sc_bundles>
